<compile_context>
chip_gen: v7x
topology: tpu7x:2x2x1
jax: 0.10.2.dev20260603
libtpu: 0.0.44.dev20260713+nightly
codegen_flags: <defaults>
</compile_context>

<pallas_src>
import functools

import jax
import jax.numpy as jnp
from jax import lax
from jax.experimental import pallas as pl
from jax.experimental.pallas import tpu as pltpu
from jax.experimental.pallas import tpu_sc as plsc

_BATCH = 16384
_HIST = 200
_N = _BATCH * _HIST
_NC = 2
_NS = 16
_NW = _NC * _NS
_PER_W = _N // _NW
_CHUNK = 12800
_NCHUNK = _PER_W // _CHUNK


_TBL = 1000000
_TBL_SLICE = _TBL // 10
_STAGE_SIZES = [10000] * 10
_STAGE_OFFS = [10000 * j for j in range(10)]


def _sc_gather(table, idx):
    mesh = plsc.VectorSubcoreMesh(core_axis_name="c", subcore_axis_name="s")

    @functools.partial(
        pl.kernel,
        mesh=mesh,
        out_type=jax.ShapeDtypeStruct((_N,), jnp.float32),
        scratch_types=[
            pltpu.VMEM_SHARED((_TBL,), jnp.float32),
            pltpu.VMEM((_CHUNK,), jnp.int32),
            pltpu.VMEM((_CHUNK,), jnp.int32),
            pltpu.VMEM((_CHUNK,), jnp.float32),
            pltpu.VMEM((_CHUNK,), jnp.float32),
            pltpu.SemaphoreType.DMA,
            pltpu.SemaphoreType.DMA,
            pltpu.SemaphoreType.DMA,
            pltpu.SemaphoreType.DMA,
            pltpu.SemaphoreType.DMA,
            pltpu.SemaphoreType.DMA,
        ],
    )
    def k(table_hbm, idx_hbm, out_hbm,
          tbl_s, idx0, idx1, rows0, rows1,
          si0, si1, sg0, sg1, ss0, ss1):
        sid = lax.axis_index("s")
        wid = sid * _NC + lax.axis_index("c")
        base = wid * _PER_W

        pre0 = pltpu.async_copy(
            idx_hbm.at[pl.ds(base, _CHUNK)], idx0, si0)
        pre1 = pltpu.async_copy(
            idx_hbm.at[pl.ds(base + _CHUNK, _CHUNK)], idx1, si1)

        @pl.when(sid < 10)
        def _stage():
            toff = pl.multiple_of(sid * _TBL_SLICE, 8)
            bufs = (rows0, rows1)
            ld = (sg0, sg1)
            st = (ss0, ss1)
            nst = len(_STAGE_SIZES)
            loads = [None] * nst
            stores = [None] * nst
            loads[0] = pltpu.async_copy(
                table_hbm.at[pl.ds(toff, _STAGE_SIZES[0])],
                bufs[0].at[pl.ds(0, _STAGE_SIZES[0])], ld[0])
            for j in range(nst):
                b = j % 2
                o = toff + _STAGE_OFFS[j]
                loads[j].wait()
                if j >= 1:
                    stores[j - 1].wait()
                if j + 1 < nst:
                    loads[j + 1] = pltpu.async_copy(
                        table_hbm.at[pl.ds(toff + _STAGE_OFFS[j + 1],
                                           _STAGE_SIZES[j + 1])],
                        bufs[1 - b].at[pl.ds(0, _STAGE_SIZES[j + 1])],
                        ld[1 - b])
                stores[j] = pltpu.async_copy(
                    bufs[b].at[pl.ds(0, _STAGE_SIZES[j])],
                    tbl_s.at[pl.ds(o, _STAGE_SIZES[j])], st[b])
            stores[nst - 1].wait()

        plsc.subcore_barrier()
        idx_v = (idx0, idx1)
        rows_v = (rows0, rows1)
        s_idx = (si0, si1)
        s_gat = (sg0, sg1)
        s_out = (ss0, ss1)

        idx_loads = [None] * _NCHUNK
        stores = [None] * _NCHUNK

        idx_loads[0] = pre0
        idx_loads[1] = pre1
        for c in range(_NCHUNK):
            b = c % 2
            off = base + c * _CHUNK
            idx_loads[c].wait()
            if c >= 2:
                stores[c - 2].wait()
            pltpu.async_copy(tbl_s.at[idx_v[b]], rows_v[b],
                             s_gat[b]).wait()
            if c + 2 < _NCHUNK:
                idx_loads[c + 2] = pltpu.async_copy(
                    idx_hbm.at[pl.ds(off + 2 * _CHUNK, _CHUNK)],
                    idx_v[b], s_idx[b])
            stores[c] = pltpu.async_copy(
                rows_v[b], out_hbm.at[pl.ds(off, _CHUNK)], s_out[b])
        stores[_NCHUNK - 2].wait()
        stores[_NCHUNK - 1].wait()

    return k(table, idx)


def kernel(input_ids, witness_ids, W):
    idx = witness_ids.T.reshape(_N)
    table = W.T.reshape(_TBL)
    out = _sc_gather(table, idx)
    return out.reshape(_HIST, _BATCH, 1).transpose((1, 0, 2))

# --- scband reference (transcript-rebuilt; emitter-appended) ---
"""Pipeline reference for scband-data-witness-8306466750779 (READ-ONLY COPY).

The authoritative reference and input builder live on the scoring server;
editing this copy changes nothing except your own understanding.
"""

import jax, jax.numpy as jnp
import numpy as np

BUFFER_SIZE = 1000000
EMBED_DIM = 1
BATCH = 16384
HIST = 200


def setup_inputs(seed: int = 0) -> dict:
    key = jax.random.key(seed)
    k1, k2 = jax.random.split(key)
    input_ids = jax.random.randint(k1, (BATCH, HIST), 0, BUFFER_SIZE, dtype=jnp.int64 if jax.config.jax_enable_x64 else jnp.int32)
    witness_ids = jax.random.randint(k2, (BATCH, HIST), 0, BUFFER_SIZE, dtype=jnp.int64 if jax.config.jax_enable_x64 else jnp.int32)
    # Witness embedding table, zero-initialized per nn.init.zeros_
    W = jnp.zeros((BUFFER_SIZE, EMBED_DIM), dtype=jnp.float32)
    return {"input_ids": input_ids, "witness_ids": witness_ids, "W": W}


def reference(input_ids, witness_ids, W):
    # assert input_ids.shape == witness_ids.shape (structural; shapes match by construction)
    # w = self.witness(witness_ids) -> embedding gather
    w = jnp.take(W, witness_ids, axis=0)  # [B, L, 1]
    # out = w - w.detach()  (zero in value, but carries gradient path through w)
    out = w - jax.lax.stop_gradient(w)
    return out

if __name__ == "__main__":
    import jax
    _d = setup_inputs()
    print(jax.jit(kernel)(*tuple(_d.values())))

</pallas_src>

<mosaic_0001>
#map = affine_map<(d0, d1) -> (0)>
module attributes {stable_mosaic.version = 14 : i64} {
  func.func @k(%arg0: i32, %arg1: i32, %arg2: memref<1000000xf32, #tpu.memory_space<hbm>>, %arg3: memref<3276800xi32, #tpu.memory_space<hbm>>, %arg4: memref<3276800xf32, #tpu.memory_space<hbm>>, %arg5: memref<1000000xf32, #tpu.memory_space<vmem_shared>>, %arg6: memref<12800xi32, #tpu.memory_space<vmem>>, %arg7: memref<12800xi32, #tpu.memory_space<vmem>>, %arg8: memref<12800xf32, #tpu.memory_space<vmem>>, %arg9: memref<12800xf32, #tpu.memory_space<vmem>>, %arg10: memref<!tpu.dma_semaphore, #tpu.memory_space<semaphore_mem>>, %arg11: memref<!tpu.dma_semaphore, #tpu.memory_space<semaphore_mem>>, %arg12: memref<!tpu.dma_semaphore, #tpu.memory_space<semaphore_mem>>, %arg13: memref<!tpu.dma_semaphore, #tpu.memory_space<semaphore_mem>>, %arg14: memref<!tpu.dma_semaphore, #tpu.memory_space<semaphore_mem>>, %arg15: memref<!tpu.dma_semaphore, #tpu.memory_space<semaphore_mem>>) attributes {dimension_semantics = [#tpu.dimension_semantics<core_parallel>, #tpu.dimension_semantics<subcore_parallel>], iteration_bounds = array<i64: 2, 16>, scalar_prefetch = 0 : i64, scratch_operands = 11 : i64, tpu.core_type = #tpu.core_type<sc_vector_subcore>, window_params = [{transform_indices = #map}, {transform_indices = #map}, {transform_indices = #map}]} {
    %mul3A = arith.constant 2 : i32
    %mul3A_0 = arith.muli %arg1, %mul3A : i32
    %add3A = arith.addi %mul3A_0, %arg0 : i32
    %mul3A_1 = arith.constant 102400 : i32
    %mul3A_2 = arith.muli %add3A, %mul3A_1 : i32
    %dma_start3A = tpu.memref_slice %arg3[%mul3A_2] : memref<3276800xi32, #tpu.memory_space<hbm>> -> memref<12800xi32, #tpu.memory_space<hbm>>
    %dma_start3A_3 = tpu.memref_slice %arg3[%mul3A_2] : memref<3276800xi32, #tpu.memory_space<hbm>> -> memref<12800xi32, #tpu.memory_space<hbm>>
    tpu.enqueue_dma source(%dma_start3A_3 : memref<12800xi32, #tpu.memory_space<hbm>>) target(%arg6 : memref<12800xi32, #tpu.memory_space<vmem>>) target_semaphore(%arg10 : memref<!tpu.dma_semaphore, #tpu.memory_space<semaphore_mem>>)
    %add3A_4 = arith.constant 12800 : i32
    %add3A_5 = arith.addi %mul3A_2, %add3A_4 : i32
    %dma_start3A_6 = tpu.memref_slice %arg3[%add3A_5] : memref<3276800xi32, #tpu.memory_space<hbm>> -> memref<12800xi32, #tpu.memory_space<hbm>>
    %dma_start3A_7 = tpu.memref_slice %arg3[%add3A_5] : memref<3276800xi32, #tpu.memory_space<hbm>> -> memref<12800xi32, #tpu.memory_space<hbm>>
    tpu.enqueue_dma source(%dma_start3A_7 : memref<12800xi32, #tpu.memory_space<hbm>>) target(%arg7 : memref<12800xi32, #tpu.memory_space<vmem>>) target_semaphore(%arg11 : memref<!tpu.dma_semaphore, #tpu.memory_space<semaphore_mem>>)
    %lt3A = arith.constant 10 : i32
    %lt3A_8 = arith.cmpi slt, %arg1, %lt3A : i32
    %convert_element_type3A = arith.extui %lt3A_8 : i1 to i32
    %cond3A = arith.constant 0 : i32
    %cond3A_9 = arith.cmpi ne, %convert_element_type3A, %cond3A : i32
    scf.if %cond3A_9 {
      %mul3A_129 = arith.constant 100000 : i32
      %mul3A_130 = arith.muli %arg1, %mul3A_129 : i32
      %multiple_of3A = tpu.assume_multiple %mul3A_130, 8 : i32
      %dma_start3A_131 = arith.constant 0 : i32
      %dma_start3A_132 = tpu.memref_slice %arg8[%dma_start3A_131] : memref<12800xf32, #tpu.memory_space<vmem>> -> memref<10000xf32, #tpu.memory_space<vmem>>
      %dma_start3A_133 = tpu.memref_slice %arg2[%multiple_of3A] : memref<1000000xf32, #tpu.memory_space<hbm>> -> memref<10000xf32, #tpu.memory_space<hbm>>
      %dma_start3A_134 = arith.constant 0 : i32
      %dma_start3A_135 = tpu.memref_slice %arg8[%dma_start3A_134] : memref<12800xf32, #tpu.memory_space<vmem>> -> memref<10000xf32, #tpu.memory_space<vmem>>
      %dma_start3A_136 = tpu.memref_slice %arg2[%multiple_of3A] : memref<1000000xf32, #tpu.memory_space<hbm>> -> memref<10000xf32, #tpu.memory_space<hbm>>
      tpu.enqueue_dma source(%dma_start3A_136 : memref<10000xf32, #tpu.memory_space<hbm>>) target(%dma_start3A_135 : memref<10000xf32, #tpu.memory_space<vmem>>) target_semaphore(%arg12 : memref<!tpu.dma_semaphore, #tpu.memory_space<semaphore_mem>>)
      %add3A_137 = arith.constant 0 : i32
      %add3A_138 = arith.addi %multiple_of3A, %add3A_137 : i32
      %dma_wait3A_139 = arith.constant 0 : i32
      %dma_wait3A_140 = tpu.memref_slice %arg8[%dma_wait3A_139] : memref<12800xf32, #tpu.memory_space<vmem>> -> memref<10000xf32, #tpu.memory_space<vmem>>
      %dma_wait3A_141 = tpu.memref_slice %arg2[%multiple_of3A] : memref<1000000xf32, #tpu.memory_space<hbm>> -> memref<10000xf32, #tpu.memory_space<hbm>>
      %dma_wait3A_142 = arith.constant 0 : i32
      %dma_wait3A_143 = tpu.memref_slice %arg8[%dma_wait3A_142] : memref<12800xf32, #tpu.memory_space<vmem>> -> memref<10000xf32, #tpu.memory_space<vmem>>
      %dma_wait3A_144 = tpu.memref_slice %arg2[%multiple_of3A] : memref<1000000xf32, #tpu.memory_space<hbm>> -> memref<10000xf32, #tpu.memory_space<hbm>>
      tpu.wait_dma2 semaphore(%arg12 : memref<!tpu.dma_semaphore, #tpu.memory_space<semaphore_mem>>) src(%dma_wait3A_144 : memref<10000xf32, #tpu.memory_space<hbm>>) dst(%dma_wait3A_143 : memref<10000xf32, #tpu.memory_space<vmem>>)
      %add3A_145 = arith.constant 10000 : i32
      %add3A_146 = arith.addi %multiple_of3A, %add3A_145 : i32
      %dma_start3A_147 = arith.constant 0 : i32
      %dma_start3A_148 = tpu.memref_slice %arg9[%dma_start3A_147] : memref<12800xf32, #tpu.memory_space<vmem>> -> memref<10000xf32, #tpu.memory_space<vmem>>
      %dma_start3A_149 = tpu.memref_slice %arg2[%add3A_146] : memref<1000000xf32, #tpu.memory_space<hbm>> -> memref<10000xf32, #tpu.memory_space<hbm>>
      %dma_start3A_150 = arith.constant 0 : i32
      %dma_start3A_151 = tpu.memref_slice %arg9[%dma_start3A_150] : memref<12800xf32, #tpu.memory_space<vmem>> -> memref<10000xf32, #tpu.memory_space<vmem>>
      %dma_start3A_152 = tpu.memref_slice %arg2[%add3A_146] : memref<1000000xf32, #tpu.memory_space<hbm>> -> memref<10000xf32, #tpu.memory_space<hbm>>
      tpu.enqueue_dma source(%dma_start3A_152 : memref<10000xf32, #tpu.memory_space<hbm>>) target(%dma_start3A_151 : memref<10000xf32, #tpu.memory_space<vmem>>) target_semaphore(%arg13 : memref<!tpu.dma_semaphore, #tpu.memory_space<semaphore_mem>>)
      %dma_start3A_153 = arith.constant 0 : i32
      %dma_start3A_154 = tpu.memref_slice %arg8[%dma_start3A_153] : memref<12800xf32, #tpu.memory_space<vmem>> -> memref<10000xf32, #tpu.memory_space<vmem>>
      %dma_start3A_155 = tpu.memref_slice %arg5[%add3A_138] : memref<1000000xf32, #tpu.memory_space<vmem_shared>> -> memref<10000xf32, #tpu.memory_space<vmem_shared>>
      %dma_start3A_156 = tpu.memref_slice %arg5[%add3A_138] : memref<1000000xf32, #tpu.memory_space<vmem_shared>> -> memref<10000xf32, #tpu.memory_space<vmem_shared>>
      %dma_start3A_157 = arith.constant 0 : i32
      %dma_start3A_158 = tpu.memref_slice %arg8[%dma_start3A_157] : memref<12800xf32, #tpu.memory_space<vmem>> -> memref<10000xf32, #tpu.memory_space<vmem>>
      tpu.enqueue_dma source(%dma_start3A_158 : memref<10000xf32, #tpu.memory_space<vmem>>) target(%dma_start3A_156 : memref<10000xf32, #tpu.memory_space<vmem_shared>>) target_semaphore(%arg14 : memref<!tpu.dma_semaphore, #tpu.memory_space<semaphore_mem>>)
      %add3A_159 = arith.constant 10000 : i32
      %add3A_160 = arith.addi %multiple_of3A, %add3A_159 : i32
      %dma_wait3A_161 = arith.constant 0 : i32
      %dma_wait3A_162 = tpu.memref_slice %arg9[%dma_wait3A_161] : memref<12800xf32, #tpu.memory_space<vmem>> -> memref<10000xf32, #tpu.memory_space<vmem>>
      %dma_wait3A_163 = tpu.memref_slice %arg2[%add3A_146] : memref<1000000xf32, #tpu.memory_space<hbm>> -> memref<10000xf32, #tpu.memory_space<hbm>>
      %dma_wait3A_164 = arith.constant 0 : i32
      %dma_wait3A_165 = tpu.memref_slice %arg9[%dma_wait3A_164] : memref<12800xf32, #tpu.memory_space<vmem>> -> memref<10000xf32, #tpu.memory_space<vmem>>
      %dma_wait3A_166 = tpu.memref_slice %arg2[%add3A_146] : memref<1000000xf32, #tpu.memory_space<hbm>> -> memref<10000xf32, #tpu.memory_space<hbm>>
      tpu.wait_dma2 semaphore(%arg13 : memref<!tpu.dma_semaphore, #tpu.memory_space<semaphore_mem>>) src(%dma_wait3A_166 : memref<10000xf32, #tpu.memory_space<hbm>>) dst(%dma_wait3A_165 : memref<10000xf32, #tpu.memory_space<vmem>>)
      %dma_wait3A_167 = arith.constant 0 : i32
      %dma_wait3A_168 = tpu.memref_slice %arg8[%dma_wait3A_167] : memref<12800xf32, #tpu.memory_space<vmem>> -> memref<10000xf32, #tpu.memory_space<vmem>>
      %dma_wait3A_169 = tpu.memref_slice %arg5[%add3A_138] : memref<1000000xf32, #tpu.memory_space<vmem_shared>> -> memref<10000xf32, #tpu.memory_space<vmem_shared>>
      %dma_wait3A_170 = tpu.memref_slice %arg5[%add3A_138] : memref<1000000xf32, #tpu.memory_space<vmem_shared>> -> memref<10000xf32, #tpu.memory_space<vmem_shared>>
      %dma_wait3A_171 = arith.constant 0 : i32
      %dma_wait3A_172 = tpu.memref_slice %arg8[%dma_wait3A_171] : memref<12800xf32, #tpu.memory_space<vmem>> -> memref<10000xf32, #tpu.memory_space<vmem>>
      tpu.wait_dma2 semaphore(%arg14 : memref<!tpu.dma_semaphore, #tpu.memory_space<semaphore_mem>>) src(%dma_wait3A_172 : memref<10000xf32, #tpu.memory_space<vmem>>) dst(%dma_wait3A_170 : memref<10000xf32, #tpu.memory_space<vmem_shared>>)
      %add3A_173 = arith.constant 20000 : i32
      %add3A_174 = arith.addi %multiple_of3A, %add3A_173 : i32
      %dma_start3A_175 = arith.constant 0 : i32
      %dma_start3A_176 = tpu.memref_slice %arg8[%dma_start3A_175] : memref<12800xf32, #tpu.memory_space<vmem>> -> memref<10000xf32, #tpu.memory_space<vmem>>
      %dma_start3A_177 = tpu.memref_slice %arg2[%add3A_174] : memref<1000000xf32, #tpu.memory_space<hbm>> -> memref<10000xf32, #tpu.memory_space<hbm>>
      %dma_start3A_178 = arith.constant 0 : i32
      %dma_start3A_179 = tpu.memref_slice %arg8[%dma_start3A_178] : memref<12800xf32, #tpu.memory_space<vmem>> -> memref<10000xf32, #tpu.memory_space<vmem>>
      %dma_start3A_180 = tpu.memref_slice %arg2[%add3A_174] : memref<1000000xf32, #tpu.memory_space<hbm>> -> memref<10000xf32, #tpu.memory_space<hbm>>
      tpu.enqueue_dma source(%dma_start3A_180 : memref<10000xf32, #tpu.memory_space<hbm>>) target(%dma_start3A_179 : memref<10000xf32, #tpu.memory_space<vmem>>) target_semaphore(%arg12 : memref<!tpu.dma_semaphore, #tpu.memory_space<semaphore_mem>>)
      %dma_start3A_181 = arith.constant 0 : i32
      %dma_start3A_182 = tpu.memref_slice %arg9[%dma_start3A_181] : memref<12800xf32, #tpu.memory_space<vmem>> -> memref<10000xf32, #tpu.memory_space<vmem>>
      %dma_start3A_183 = tpu.memref_slice %arg5[%add3A_160] : memref<1000000xf32, #tpu.memory_space<vmem_shared>> -> memref<10000xf32, #tpu.memory_space<vmem_shared>>
      %dma_start3A_184 = tpu.memref_slice %arg5[%add3A_160] : memref<1000000xf32, #tpu.memory_space<vmem_shared>> -> memref<10000xf32, #tpu.memory_space<vmem_shared>>
      %dma_start3A_185 = arith.constant 0 : i32
      %dma_start3A_186 = tpu.memref_slice %arg9[%dma_start3A_185] : memref<12800xf32, #tpu.memory_space<vmem>> -> memref<10000xf32, #tpu.memory_space<vmem>>
      tpu.enqueue_dma source(%dma_start3A_186 : memref<10000xf32, #tpu.memory_space<vmem>>) target(%dma_start3A_184 : memref<10000xf32, #tpu.memory_space<vmem_shared>>) target_semaphore(%arg15 : memref<!tpu.dma_semaphore, #tpu.memory_space<semaphore_mem>>)
      %add3A_187 = arith.constant 20000 : i32
      %add3A_188 = arith.addi %multiple_of3A, %add3A_187 : i32
      %dma_wait3A_189 = arith.constant 0 : i32
      %dma_wait3A_190 = tpu.memref_slice %arg8[%dma_wait3A_189] : memref<12800xf32, #tpu.memory_space<vmem>> -> memref<10000xf32, #tpu.memory_space<vmem>>
      %dma_wait3A_191 = tpu.memref_slice %arg2[%add3A_174] : memref<1000000xf32, #tpu.memory_space<hbm>> -> memref<10000xf32, #tpu.memory_space<hbm>>
      %dma_wait3A_192 = arith.constant 0 : i32
      %dma_wait3A_193 = tpu.memref_slice %arg8[%dma_wait3A_192] : memref<12800xf32, #tpu.memory_space<vmem>> -> memref<10000xf32, #tpu.memory_space<vmem>>
      %dma_wait3A_194 = tpu.memref_slice %arg2[%add3A_174] : memref<1000000xf32, #tpu.memory_space<hbm>> -> memref<10000xf32, #tpu.memory_space<hbm>>
      tpu.wait_dma2 semaphore(%arg12 : memref<!tpu.dma_semaphore, #tpu.memory_space<semaphore_mem>>) src(%dma_wait3A_194 : memref<10000xf32, #tpu.memory_space<hbm>>) dst(%dma_wait3A_193 : memref<10000xf32, #tpu.memory_space<vmem>>)
      %dma_wait3A_195 = arith.constant 0 : i32
      %dma_wait3A_196 = tpu.memref_slice %arg9[%dma_wait3A_195] : memref<12800xf32, #tpu.memory_space<vmem>> -> memref<10000xf32, #tpu.memory_space<vmem>>
      %dma_wait3A_197 = tpu.memref_slice %arg5[%add3A_160] : memref<1000000xf32, #tpu.memory_space<vmem_shared>> -> memref<10000xf32, #tpu.memory_space<vmem_shared>>
      %dma_wait3A_198 = tpu.memref_slice %arg5[%add3A_160] : memref<1000000xf32, #tpu.memory_space<vmem_shared>> -> memref<10000xf32, #tpu.memory_space<vmem_shared>>
      %dma_wait3A_199 = arith.constant 0 : i32
      %dma_wait3A_200 = tpu.memref_slice %arg9[%dma_wait3A_199] : memref<12800xf32, #tpu.memory_space<vmem>> -> memref<10000xf32, #tpu.memory_space<vmem>>
      tpu.wait_dma2 semaphore(%arg15 : memref<!tpu.dma_semaphore, #tpu.memory_space<semaphore_mem>>) src(%dma_wait3A_200 : memref<10000xf32, #tpu.memory_space<vmem>>) dst(%dma_wait3A_198 : memref<10000xf32, #tpu.memory_space<vmem_shared>>)
      %add3A_201 = arith.constant 30000 : i32
      %add3A_202 = arith.addi %multiple_of3A, %add3A_201 : i32
      %dma_start3A_203 = arith.constant 0 : i32
      %dma_start3A_204 = tpu.memref_slice %arg9[%dma_start3A_203] : memref<12800xf32, #tpu.memory_space<vmem>> -> memref<10000xf32, #tpu.memory_space<vmem>>
      %dma_start3A_205 = tpu.memref_slice %arg2[%add3A_202] : memref<1000000xf32, #tpu.memory_space<hbm>> -> memref<10000xf32, #tpu.memory_space<hbm>>
      %dma_start3A_206 = arith.constant 0 : i32
      %dma_start3A_207 = tpu.memref_slice %arg9[%dma_start3A_206] : memref<12800xf32, #tpu.memory_space<vmem>> -> memref<10000xf32, #tpu.memory_space<vmem>>
      %dma_start3A_208 = tpu.memref_slice %arg2[%add3A_202] : memref<1000000xf32, #tpu.memory_space<hbm>> -> memref<10000xf32, #tpu.memory_space<hbm>>
      tpu.enqueue_dma source(%dma_start3A_208 : memref<10000xf32, #tpu.memory_space<hbm>>) target(%dma_start3A_207 : memref<10000xf32, #tpu.memory_space<vmem>>) target_semaphore(%arg13 : memref<!tpu.dma_semaphore, #tpu.memory_space<semaphore_mem>>)
      %dma_start3A_209 = arith.constant 0 : i32
      %dma_start3A_210 = tpu.memref_slice %arg8[%dma_start3A_209] : memref<12800xf32, #tpu.memory_space<vmem>> -> memref<10000xf32, #tpu.memory_space<vmem>>
      %dma_start3A_211 = tpu.memref_slice %arg5[%add3A_188] : memref<1000000xf32, #tpu.memory_space<vmem_shared>> -> memref<10000xf32, #tpu.memory_space<vmem_shared>>
      %dma_start3A_212 = tpu.memref_slice %arg5[%add3A_188] : memref<1000000xf32, #tpu.memory_space<vmem_shared>> -> memref<10000xf32, #tpu.memory_space<vmem_shared>>
      %dma_start3A_213 = arith.constant 0 : i32
      %dma_start3A_214 = tpu.memref_slice %arg8[%dma_start3A_213] : memref<12800xf32, #tpu.memory_space<vmem>> -> memref<10000xf32, #tpu.memory_space<vmem>>
      tpu.enqueue_dma source(%dma_start3A_214 : memref<10000xf32, #tpu.memory_space<vmem>>) target(%dma_start3A_212 : memref<10000xf32, #tpu.memory_space<vmem_shared>>) target_semaphore(%arg14 : memref<!tpu.dma_semaphore, #tpu.memory_space<semaphore_mem>>)
      %add3A_215 = arith.constant 30000 : i32
      %add3A_216 = arith.addi %multiple_of3A, %add3A_215 : i32
      %dma_wait3A_217 = arith.constant 0 : i32
      %dma_wait3A_218 = tpu.memref_slice %arg9[%dma_wait3A_217] : memref<12800xf32, #tpu.memory_space<vmem>> -> memref<10000xf32, #tpu.memory_space<vmem>>
      %dma_wait3A_219 = tpu.memref_slice %arg2[%add3A_202] : memref<1000000xf32, #tpu.memory_space<hbm>> -> memref<10000xf32, #tpu.memory_space<hbm>>
      %dma_wait3A_220 = arith.constant 0 : i32
      %dma_wait3A_221 = tpu.memref_slice %arg9[%dma_wait3A_220] : memref<12800xf32, #tpu.memory_space<vmem>> -> memref<10000xf32, #tpu.memory_space<vmem>>
      %dma_wait3A_222 = tpu.memref_slice %arg2[%add3A_202] : memref<1000000xf32, #tpu.memory_space<hbm>> -> memref<10000xf32, #tpu.memory_space<hbm>>
      tpu.wait_dma2 semaphore(%arg13 : memref<!tpu.dma_semaphore, #tpu.memory_space<semaphore_mem>>) src(%dma_wait3A_222 : memref<10000xf32, #tpu.memory_space<hbm>>) dst(%dma_wait3A_221 : memref<10000xf32, #tpu.memory_space<vmem>>)
      %dma_wait3A_223 = arith.constant 0 : i32
      %dma_wait3A_224 = tpu.memref_slice %arg8[%dma_wait3A_223] : memref<12800xf32, #tpu.memory_space<vmem>> -> memref<10000xf32, #tpu.memory_space<vmem>>
      %dma_wait3A_225 = tpu.memref_slice %arg5[%add3A_188] : memref<1000000xf32, #tpu.memory_space<vmem_shared>> -> memref<10000xf32, #tpu.memory_space<vmem_shared>>
      %dma_wait3A_226 = tpu.memref_slice %arg5[%add3A_188] : memref<1000000xf32, #tpu.memory_space<vmem_shared>> -> memref<10000xf32, #tpu.memory_space<vmem_shared>>
      %dma_wait3A_227 = arith.constant 0 : i32
      %dma_wait3A_228 = tpu.memref_slice %arg8[%dma_wait3A_227] : memref<12800xf32, #tpu.memory_space<vmem>> -> memref<10000xf32, #tpu.memory_space<vmem>>
      tpu.wait_dma2 semaphore(%arg14 : memref<!tpu.dma_semaphore, #tpu.memory_space<semaphore_mem>>) src(%dma_wait3A_228 : memref<10000xf32, #tpu.memory_space<vmem>>) dst(%dma_wait3A_226 : memref<10000xf32, #tpu.memory_space<vmem_shared>>)
      %add3A_229 = arith.constant 40000 : i32
      %add3A_230 = arith.addi %multiple_of3A, %add3A_229 : i32
      %dma_start3A_231 = arith.constant 0 : i32
      %dma_start3A_232 = tpu.memref_slice %arg8[%dma_start3A_231] : memref<12800xf32, #tpu.memory_space<vmem>> -> memref<10000xf32, #tpu.memory_space<vmem>>
      %dma_start3A_233 = tpu.memref_slice %arg2[%add3A_230] : memref<1000000xf32, #tpu.memory_space<hbm>> -> memref<10000xf32, #tpu.memory_space<hbm>>
      %dma_start3A_234 = arith.constant 0 : i32
      %dma_start3A_235 = tpu.memref_slice %arg8[%dma_start3A_234] : memref<12800xf32, #tpu.memory_space<vmem>> -> memref<10000xf32, #tpu.memory_space<vmem>>
      %dma_start3A_236 = tpu.memref_slice %arg2[%add3A_230] : memref<1000000xf32, #tpu.memory_space<hbm>> -> memref<10000xf32, #tpu.memory_space<hbm>>
      tpu.enqueue_dma source(%dma_start3A_236 : memref<10000xf32, #tpu.memory_space<hbm>>) target(%dma_start3A_235 : memref<10000xf32, #tpu.memory_space<vmem>>) target_semaphore(%arg12 : memref<!tpu.dma_semaphore, #tpu.memory_space<semaphore_mem>>)
      %dma_start3A_237 = arith.constant 0 : i32
      %dma_start3A_238 = tpu.memref_slice %arg9[%dma_start3A_237] : memref<12800xf32, #tpu.memory_space<vmem>> -> memref<10000xf32, #tpu.memory_space<vmem>>
      %dma_start3A_239 = tpu.memref_slice %arg5[%add3A_216] : memref<1000000xf32, #tpu.memory_space<vmem_shared>> -> memref<10000xf32, #tpu.memory_space<vmem_shared>>
      %dma_start3A_240 = tpu.memref_slice %arg5[%add3A_216] : memref<1000000xf32, #tpu.memory_space<vmem_shared>> -> memref<10000xf32, #tpu.memory_space<vmem_shared>>
      %dma_start3A_241 = arith.constant 0 : i32
      %dma_start3A_242 = tpu.memref_slice %arg9[%dma_start3A_241] : memref<12800xf32, #tpu.memory_space<vmem>> -> memref<10000xf32, #tpu.memory_space<vmem>>
      tpu.enqueue_dma source(%dma_start3A_242 : memref<10000xf32, #tpu.memory_space<vmem>>) target(%dma_start3A_240 : memref<10000xf32, #tpu.memory_space<vmem_shared>>) target_semaphore(%arg15 : memref<!tpu.dma_semaphore, #tpu.memory_space<semaphore_mem>>)
      %add3A_243 = arith.constant 40000 : i32
      %add3A_244 = arith.addi %multiple_of3A, %add3A_243 : i32
      %dma_wait3A_245 = arith.constant 0 : i32
      %dma_wait3A_246 = tpu.memref_slice %arg8[%dma_wait3A_245] : memref<12800xf32, #tpu.memory_space<vmem>> -> memref<10000xf32, #tpu.memory_space<vmem>>
      %dma_wait3A_247 = tpu.memref_slice %arg2[%add3A_230] : memref<1000000xf32, #tpu.memory_space<hbm>> -> memref<10000xf32, #tpu.memory_space<hbm>>
      %dma_wait3A_248 = arith.constant 0 : i32
      %dma_wait3A_249 = tpu.memref_slice %arg8[%dma_wait3A_248] : memref<12800xf32, #tpu.memory_space<vmem>> -> memref<10000xf32, #tpu.memory_space<vmem>>
      %dma_wait3A_250 = tpu.memref_slice %arg2[%add3A_230] : memref<1000000xf32, #tpu.memory_space<hbm>> -> memref<10000xf32, #tpu.memory_space<hbm>>
      tpu.wait_dma2 semaphore(%arg12 : memref<!tpu.dma_semaphore, #tpu.memory_space<semaphore_mem>>) src(%dma_wait3A_250 : memref<10000xf32, #tpu.memory_space<hbm>>) dst(%dma_wait3A_249 : memref<10000xf32, #tpu.memory_space<vmem>>)
      %dma_wait3A_251 = arith.constant 0 : i32
      %dma_wait3A_252 = tpu.memref_slice %arg9[%dma_wait3A_251] : memref<12800xf32, #tpu.memory_space<vmem>> -> memref<10000xf32, #tpu.memory_space<vmem>>
      %dma_wait3A_253 = tpu.memref_slice %arg5[%add3A_216] : memref<1000000xf32, #tpu.memory_space<vmem_shared>> -> memref<10000xf32, #tpu.memory_space<vmem_shared>>
      %dma_wait3A_254 = tpu.memref_slice %arg5[%add3A_216] : memref<1000000xf32, #tpu.memory_space<vmem_shared>> -> memref<10000xf32, #tpu.memory_space<vmem_shared>>
      %dma_wait3A_255 = arith.constant 0 : i32
      %dma_wait3A_256 = tpu.memref_slice %arg9[%dma_wait3A_255] : memref<12800xf32, #tpu.memory_space<vmem>> -> memref<10000xf32, #tpu.memory_space<vmem>>
      tpu.wait_dma2 semaphore(%arg15 : memref<!tpu.dma_semaphore, #tpu.memory_space<semaphore_mem>>) src(%dma_wait3A_256 : memref<10000xf32, #tpu.memory_space<vmem>>) dst(%dma_wait3A_254 : memref<10000xf32, #tpu.memory_space<vmem_shared>>)
      %add3A_257 = arith.constant 50000 : i32
      %add3A_258 = arith.addi %multiple_of3A, %add3A_257 : i32
      %dma_start3A_259 = arith.constant 0 : i32
      %dma_start3A_260 = tpu.memref_slice %arg9[%dma_start3A_259] : memref<12800xf32, #tpu.memory_space<vmem>> -> memref<10000xf32, #tpu.memory_space<vmem>>
      %dma_start3A_261 = tpu.memref_slice %arg2[%add3A_258] : memref<1000000xf32, #tpu.memory_space<hbm>> -> memref<10000xf32, #tpu.memory_space<hbm>>
      %dma_start3A_262 = arith.constant 0 : i32
      %dma_start3A_263 = tpu.memref_slice %arg9[%dma_start3A_262] : memref<12800xf32, #tpu.memory_space<vmem>> -> memref<10000xf32, #tpu.memory_space<vmem>>
      %dma_start3A_264 = tpu.memref_slice %arg2[%add3A_258] : memref<1000000xf32, #tpu.memory_space<hbm>> -> memref<10000xf32, #tpu.memory_space<hbm>>
      tpu.enqueue_dma source(%dma_start3A_264 : memref<10000xf32, #tpu.memory_space<hbm>>) target(%dma_start3A_263 : memref<10000xf32, #tpu.memory_space<vmem>>) target_semaphore(%arg13 : memref<!tpu.dma_semaphore, #tpu.memory_space<semaphore_mem>>)
      %dma_start3A_265 = arith.constant 0 : i32
      %dma_start3A_266 = tpu.memref_slice %arg8[%dma_start3A_265] : memref<12800xf32, #tpu.memory_space<vmem>> -> memref<10000xf32, #tpu.memory_space<vmem>>
      %dma_start3A_267 = tpu.memref_slice %arg5[%add3A_244] : memref<1000000xf32, #tpu.memory_space<vmem_shared>> -> memref<10000xf32, #tpu.memory_space<vmem_shared>>
      %dma_start3A_268 = tpu.memref_slice %arg5[%add3A_244] : memref<1000000xf32, #tpu.memory_space<vmem_shared>> -> memref<10000xf32, #tpu.memory_space<vmem_shared>>
      %dma_start3A_269 = arith.constant 0 : i32
      %dma_start3A_270 = tpu.memref_slice %arg8[%dma_start3A_269] : memref<12800xf32, #tpu.memory_space<vmem>> -> memref<10000xf32, #tpu.memory_space<vmem>>
      tpu.enqueue_dma source(%dma_start3A_270 : memref<10000xf32, #tpu.memory_space<vmem>>) target(%dma_start3A_268 : memref<10000xf32, #tpu.memory_space<vmem_shared>>) target_semaphore(%arg14 : memref<!tpu.dma_semaphore, #tpu.memory_space<semaphore_mem>>)
      %add3A_271 = arith.constant 50000 : i32
      %add3A_272 = arith.addi %multiple_of3A, %add3A_271 : i32
      %dma_wait3A_273 = arith.constant 0 : i32
      %dma_wait3A_274 = tpu.memref_slice %arg9[%dma_wait3A_273] : memref<12800xf32, #tpu.memory_space<vmem>> -> memref<10000xf32, #tpu.memory_space<vmem>>
      %dma_wait3A_275 = tpu.memref_slice %arg2[%add3A_258] : memref<1000000xf32, #tpu.memory_space<hbm>> -> memref<10000xf32, #tpu.memory_space<hbm>>
      %dma_wait3A_276 = arith.constant 0 : i32
      %dma_wait3A_277 = tpu.memref_slice %arg9[%dma_wait3A_276] : memref<12800xf32, #tpu.memory_space<vmem>> -> memref<10000xf32, #tpu.memory_space<vmem>>
      %dma_wait3A_278 = tpu.memref_slice %arg2[%add3A_258] : memref<1000000xf32, #tpu.memory_space<hbm>> -> memref<10000xf32, #tpu.memory_space<hbm>>
      tpu.wait_dma2 semaphore(%arg13 : memref<!tpu.dma_semaphore, #tpu.memory_space<semaphore_mem>>) src(%dma_wait3A_278 : memref<10000xf32, #tpu.memory_space<hbm>>) dst(%dma_wait3A_277 : memref<10000xf32, #tpu.memory_space<vmem>>)
      %dma_wait3A_279 = arith.constant 0 : i32
      %dma_wait3A_280 = tpu.memref_slice %arg8[%dma_wait3A_279] : memref<12800xf32, #tpu.memory_space<vmem>> -> memref<10000xf32, #tpu.memory_space<vmem>>
      %dma_wait3A_281 = tpu.memref_slice %arg5[%add3A_244] : memref<1000000xf32, #tpu.memory_space<vmem_shared>> -> memref<10000xf32, #tpu.memory_space<vmem_shared>>
      %dma_wait3A_282 = tpu.memref_slice %arg5[%add3A_244] : memref<1000000xf32, #tpu.memory_space<vmem_shared>> -> memref<10000xf32, #tpu.memory_space<vmem_shared>>
      %dma_wait3A_283 = arith.constant 0 : i32
      %dma_wait3A_284 = tpu.memref_slice %arg8[%dma_wait3A_283] : memref<12800xf32, #tpu.memory_space<vmem>> -> memref<10000xf32, #tpu.memory_space<vmem>>
      tpu.wait_dma2 semaphore(%arg14 : memref<!tpu.dma_semaphore, #tpu.memory_space<semaphore_mem>>) src(%dma_wait3A_284 : memref<10000xf32, #tpu.memory_space<vmem>>) dst(%dma_wait3A_282 : memref<10000xf32, #tpu.memory_space<vmem_shared>>)
      %add3A_285 = arith.constant 60000 : i32
      %add3A_286 = arith.addi %multiple_of3A, %add3A_285 : i32
      %dma_start3A_287 = arith.constant 0 : i32
      %dma_start3A_288 = tpu.memref_slice %arg8[%dma_start3A_287] : memref<12800xf32, #tpu.memory_space<vmem>> -> memref<10000xf32, #tpu.memory_space<vmem>>
      %dma_start3A_289 = tpu.memref_slice %arg2[%add3A_286] : memref<1000000xf32, #tpu.memory_space<hbm>> -> memref<10000xf32, #tpu.memory_space<hbm>>
      %dma_start3A_290 = arith.constant 0 : i32
      %dma_start3A_291 = tpu.memref_slice %arg8[%dma_start3A_290] : memref<12800xf32, #tpu.memory_space<vmem>> -> memref<10000xf32, #tpu.memory_space<vmem>>
      %dma_start3A_292 = tpu.memref_slice %arg2[%add3A_286] : memref<1000000xf32, #tpu.memory_space<hbm>> -> memref<10000xf32, #tpu.memory_space<hbm>>
      tpu.enqueue_dma source(%dma_start3A_292 : memref<10000xf32, #tpu.memory_space<hbm>>) target(%dma_start3A_291 : memref<10000xf32, #tpu.memory_space<vmem>>) target_semaphore(%arg12 : memref<!tpu.dma_semaphore, #tpu.memory_space<semaphore_mem>>)
      %dma_start3A_293 = arith.constant 0 : i32
      %dma_start3A_294 = tpu.memref_slice %arg9[%dma_start3A_293] : memref<12800xf32, #tpu.memory_space<vmem>> -> memref<10000xf32, #tpu.memory_space<vmem>>
      %dma_start3A_295 = tpu.memref_slice %arg5[%add3A_272] : memref<1000000xf32, #tpu.memory_space<vmem_shared>> -> memref<10000xf32, #tpu.memory_space<vmem_shared>>
      %dma_start3A_296 = tpu.memref_slice %arg5[%add3A_272] : memref<1000000xf32, #tpu.memory_space<vmem_shared>> -> memref<10000xf32, #tpu.memory_space<vmem_shared>>
      %dma_start3A_297 = arith.constant 0 : i32
      %dma_start3A_298 = tpu.memref_slice %arg9[%dma_start3A_297] : memref<12800xf32, #tpu.memory_space<vmem>> -> memref<10000xf32, #tpu.memory_space<vmem>>
      tpu.enqueue_dma source(%dma_start3A_298 : memref<10000xf32, #tpu.memory_space<vmem>>) target(%dma_start3A_296 : memref<10000xf32, #tpu.memory_space<vmem_shared>>) target_semaphore(%arg15 : memref<!tpu.dma_semaphore, #tpu.memory_space<semaphore_mem>>)
      %add3A_299 = arith.constant 60000 : i32
      %add3A_300 = arith.addi %multiple_of3A, %add3A_299 : i32
      %dma_wait3A_301 = arith.constant 0 : i32
      %dma_wait3A_302 = tpu.memref_slice %arg8[%dma_wait3A_301] : memref<12800xf32, #tpu.memory_space<vmem>> -> memref<10000xf32, #tpu.memory_space<vmem>>
      %dma_wait3A_303 = tpu.memref_slice %arg2[%add3A_286] : memref<1000000xf32, #tpu.memory_space<hbm>> -> memref<10000xf32, #tpu.memory_space<hbm>>
      %dma_wait3A_304 = arith.constant 0 : i32
      %dma_wait3A_305 = tpu.memref_slice %arg8[%dma_wait3A_304] : memref<12800xf32, #tpu.memory_space<vmem>> -> memref<10000xf32, #tpu.memory_space<vmem>>
      %dma_wait3A_306 = tpu.memref_slice %arg2[%add3A_286] : memref<1000000xf32, #tpu.memory_space<hbm>> -> memref<10000xf32, #tpu.memory_space<hbm>>
      tpu.wait_dma2 semaphore(%arg12 : memref<!tpu.dma_semaphore, #tpu.memory_space<semaphore_mem>>) src(%dma_wait3A_306 : memref<10000xf32, #tpu.memory_space<hbm>>) dst(%dma_wait3A_305 : memref<10000xf32, #tpu.memory_space<vmem>>)
      %dma_wait3A_307 = arith.constant 0 : i32
      %dma_wait3A_308 = tpu.memref_slice %arg9[%dma_wait3A_307] : memref<12800xf32, #tpu.memory_space<vmem>> -> memref<10000xf32, #tpu.memory_space<vmem>>
      %dma_wait3A_309 = tpu.memref_slice %arg5[%add3A_272] : memref<1000000xf32, #tpu.memory_space<vmem_shared>> -> memref<10000xf32, #tpu.memory_space<vmem_shared>>
      %dma_wait3A_310 = tpu.memref_slice %arg5[%add3A_272] : memref<1000000xf32, #tpu.memory_space<vmem_shared>> -> memref<10000xf32, #tpu.memory_space<vmem_shared>>
      %dma_wait3A_311 = arith.constant 0 : i32
      %dma_wait3A_312 = tpu.memref_slice %arg9[%dma_wait3A_311] : memref<12800xf32, #tpu.memory_space<vmem>> -> memref<10000xf32, #tpu.memory_space<vmem>>
      tpu.wait_dma2 semaphore(%arg15 : memref<!tpu.dma_semaphore, #tpu.memory_space<semaphore_mem>>) src(%dma_wait3A_312 : memref<10000xf32, #tpu.memory_space<vmem>>) dst(%dma_wait3A_310 : memref<10000xf32, #tpu.memory_space<vmem_shared>>)
      %add3A_313 = arith.constant 70000 : i32
      %add3A_314 = arith.addi %multiple_of3A, %add3A_313 : i32
      %dma_start3A_315 = arith.constant 0 : i32
      %dma_start3A_316 = tpu.memref_slice %arg9[%dma_start3A_315] : memref<12800xf32, #tpu.memory_space<vmem>> -> memref<10000xf32, #tpu.memory_space<vmem>>
      %dma_start3A_317 = tpu.memref_slice %arg2[%add3A_314] : memref<1000000xf32, #tpu.memory_space<hbm>> -> memref<10000xf32, #tpu.memory_space<hbm>>
      %dma_start3A_318 = arith.constant 0 : i32
      %dma_start3A_319 = tpu.memref_slice %arg9[%dma_start3A_318] : memref<12800xf32, #tpu.memory_space<vmem>> -> memref<10000xf32, #tpu.memory_space<vmem>>
      %dma_start3A_320 = tpu.memref_slice %arg2[%add3A_314] : memref<1000000xf32, #tpu.memory_space<hbm>> -> memref<10000xf32, #tpu.memory_space<hbm>>
      tpu.enqueue_dma source(%dma_start3A_320 : memref<10000xf32, #tpu.memory_space<hbm>>) target(%dma_start3A_319 : memref<10000xf32, #tpu.memory_space<vmem>>) target_semaphore(%arg13 : memref<!tpu.dma_semaphore, #tpu.memory_space<semaphore_mem>>)
      %dma_start3A_321 = arith.constant 0 : i32
      %dma_start3A_322 = tpu.memref_slice %arg8[%dma_start3A_321] : memref<12800xf32, #tpu.memory_space<vmem>> -> memref<10000xf32, #tpu.memory_space<vmem>>
      %dma_start3A_323 = tpu.memref_slice %arg5[%add3A_300] : memref<1000000xf32, #tpu.memory_space<vmem_shared>> -> memref<10000xf32, #tpu.memory_space<vmem_shared>>
      %dma_start3A_324 = tpu.memref_slice %arg5[%add3A_300] : memref<1000000xf32, #tpu.memory_space<vmem_shared>> -> memref<10000xf32, #tpu.memory_space<vmem_shared>>
      %dma_start3A_325 = arith.constant 0 : i32
      %dma_start3A_326 = tpu.memref_slice %arg8[%dma_start3A_325] : memref<12800xf32, #tpu.memory_space<vmem>> -> memref<10000xf32, #tpu.memory_space<vmem>>
      tpu.enqueue_dma source(%dma_start3A_326 : memref<10000xf32, #tpu.memory_space<vmem>>) target(%dma_start3A_324 : memref<10000xf32, #tpu.memory_space<vmem_shared>>) target_semaphore(%arg14 : memref<!tpu.dma_semaphore, #tpu.memory_space<semaphore_mem>>)
      %add3A_327 = arith.constant 70000 : i32
      %add3A_328 = arith.addi %multiple_of3A, %add3A_327 : i32
      %dma_wait3A_329 = arith.constant 0 : i32
      %dma_wait3A_330 = tpu.memref_slice %arg9[%dma_wait3A_329] : memref<12800xf32, #tpu.memory_space<vmem>> -> memref<10000xf32, #tpu.memory_space<vmem>>
      %dma_wait3A_331 = tpu.memref_slice %arg2[%add3A_314] : memref<1000000xf32, #tpu.memory_space<hbm>> -> memref<10000xf32, #tpu.memory_space<hbm>>
      %dma_wait3A_332 = arith.constant 0 : i32
      %dma_wait3A_333 = tpu.memref_slice %arg9[%dma_wait3A_332] : memref<12800xf32, #tpu.memory_space<vmem>> -> memref<10000xf32, #tpu.memory_space<vmem>>
      %dma_wait3A_334 = tpu.memref_slice %arg2[%add3A_314] : memref<1000000xf32, #tpu.memory_space<hbm>> -> memref<10000xf32, #tpu.memory_space<hbm>>
      tpu.wait_dma2 semaphore(%arg13 : memref<!tpu.dma_semaphore, #tpu.memory_space<semaphore_mem>>) src(%dma_wait3A_334 : memref<10000xf32, #tpu.memory_space<hbm>>) dst(%dma_wait3A_333 : memref<10000xf32, #tpu.memory_space<vmem>>)
      %dma_wait3A_335 = arith.constant 0 : i32
      %dma_wait3A_336 = tpu.memref_slice %arg8[%dma_wait3A_335] : memref<12800xf32, #tpu.memory_space<vmem>> -> memref<10000xf32, #tpu.memory_space<vmem>>
      %dma_wait3A_337 = tpu.memref_slice %arg5[%add3A_300] : memref<1000000xf32, #tpu.memory_space<vmem_shared>> -> memref<10000xf32, #tpu.memory_space<vmem_shared>>
      %dma_wait3A_338 = tpu.memref_slice %arg5[%add3A_300] : memref<1000000xf32, #tpu.memory_space<vmem_shared>> -> memref<10000xf32, #tpu.memory_space<vmem_shared>>
      %dma_wait3A_339 = arith.constant 0 : i32
      %dma_wait3A_340 = tpu.memref_slice %arg8[%dma_wait3A_339] : memref<12800xf32, #tpu.memory_space<vmem>> -> memref<10000xf32, #tpu.memory_space<vmem>>
      tpu.wait_dma2 semaphore(%arg14 : memref<!tpu.dma_semaphore, #tpu.memory_space<semaphore_mem>>) src(%dma_wait3A_340 : memref<10000xf32, #tpu.memory_space<vmem>>) dst(%dma_wait3A_338 : memref<10000xf32, #tpu.memory_space<vmem_shared>>)
      %add3A_341 = arith.constant 80000 : i32
      %add3A_342 = arith.addi %multiple_of3A, %add3A_341 : i32
      %dma_start3A_343 = arith.constant 0 : i32
      %dma_start3A_344 = tpu.memref_slice %arg8[%dma_start3A_343] : memref<12800xf32, #tpu.memory_space<vmem>> -> memref<10000xf32, #tpu.memory_space<vmem>>
      %dma_start3A_345 = tpu.memref_slice %arg2[%add3A_342] : memref<1000000xf32, #tpu.memory_space<hbm>> -> memref<10000xf32, #tpu.memory_space<hbm>>
      %dma_start3A_346 = arith.constant 0 : i32
      %dma_start3A_347 = tpu.memref_slice %arg8[%dma_start3A_346] : memref<12800xf32, #tpu.memory_space<vmem>> -> memref<10000xf32, #tpu.memory_space<vmem>>
      %dma_start3A_348 = tpu.memref_slice %arg2[%add3A_342] : memref<1000000xf32, #tpu.memory_space<hbm>> -> memref<10000xf32, #tpu.memory_space<hbm>>
      tpu.enqueue_dma source(%dma_start3A_348 : memref<10000xf32, #tpu.memory_space<hbm>>) target(%dma_start3A_347 : memref<10000xf32, #tpu.memory_space<vmem>>) target_semaphore(%arg12 : memref<!tpu.dma_semaphore, #tpu.memory_space<semaphore_mem>>)
      %dma_start3A_349 = arith.constant 0 : i32
      %dma_start3A_350 = tpu.memref_slice %arg9[%dma_start3A_349] : memref<12800xf32, #tpu.memory_space<vmem>> -> memref<10000xf32, #tpu.memory_space<vmem>>
      %dma_start3A_351 = tpu.memref_slice %arg5[%add3A_328] : memref<1000000xf32, #tpu.memory_space<vmem_shared>> -> memref<10000xf32, #tpu.memory_space<vmem_shared>>
      %dma_start3A_352 = tpu.memref_slice %arg5[%add3A_328] : memref<1000000xf32, #tpu.memory_space<vmem_shared>> -> memref<10000xf32, #tpu.memory_space<vmem_shared>>
      %dma_start3A_353 = arith.constant 0 : i32
      %dma_start3A_354 = tpu.memref_slice %arg9[%dma_start3A_353] : memref<12800xf32, #tpu.memory_space<vmem>> -> memref<10000xf32, #tpu.memory_space<vmem>>
      tpu.enqueue_dma source(%dma_start3A_354 : memref<10000xf32, #tpu.memory_space<vmem>>) target(%dma_start3A_352 : memref<10000xf32, #tpu.memory_space<vmem_shared>>) target_semaphore(%arg15 : memref<!tpu.dma_semaphore, #tpu.memory_space<semaphore_mem>>)
      %add3A_355 = arith.constant 80000 : i32
      %add3A_356 = arith.addi %multiple_of3A, %add3A_355 : i32
      %dma_wait3A_357 = arith.constant 0 : i32
      %dma_wait3A_358 = tpu.memref_slice %arg8[%dma_wait3A_357] : memref<12800xf32, #tpu.memory_space<vmem>> -> memref<10000xf32, #tpu.memory_space<vmem>>
      %dma_wait3A_359 = tpu.memref_slice %arg2[%add3A_342] : memref<1000000xf32, #tpu.memory_space<hbm>> -> memref<10000xf32, #tpu.memory_space<hbm>>
      %dma_wait3A_360 = arith.constant 0 : i32
      %dma_wait3A_361 = tpu.memref_slice %arg8[%dma_wait3A_360] : memref<12800xf32, #tpu.memory_space<vmem>> -> memref<10000xf32, #tpu.memory_space<vmem>>
      %dma_wait3A_362 = tpu.memref_slice %arg2[%add3A_342] : memref<1000000xf32, #tpu.memory_space<hbm>> -> memref<10000xf32, #tpu.memory_space<hbm>>
      tpu.wait_dma2 semaphore(%arg12 : memref<!tpu.dma_semaphore, #tpu.memory_space<semaphore_mem>>) src(%dma_wait3A_362 : memref<10000xf32, #tpu.memory_space<hbm>>) dst(%dma_wait3A_361 : memref<10000xf32, #tpu.memory_space<vmem>>)
      %dma_wait3A_363 = arith.constant 0 : i32
      %dma_wait3A_364 = tpu.memref_slice %arg9[%dma_wait3A_363] : memref<12800xf32, #tpu.memory_space<vmem>> -> memref<10000xf32, #tpu.memory_space<vmem>>
      %dma_wait3A_365 = tpu.memref_slice %arg5[%add3A_328] : memref<1000000xf32, #tpu.memory_space<vmem_shared>> -> memref<10000xf32, #tpu.memory_space<vmem_shared>>
      %dma_wait3A_366 = tpu.memref_slice %arg5[%add3A_328] : memref<1000000xf32, #tpu.memory_space<vmem_shared>> -> memref<10000xf32, #tpu.memory_space<vmem_shared>>
      %dma_wait3A_367 = arith.constant 0 : i32
      %dma_wait3A_368 = tpu.memref_slice %arg9[%dma_wait3A_367] : memref<12800xf32, #tpu.memory_space<vmem>> -> memref<10000xf32, #tpu.memory_space<vmem>>
      tpu.wait_dma2 semaphore(%arg15 : memref<!tpu.dma_semaphore, #tpu.memory_space<semaphore_mem>>) src(%dma_wait3A_368 : memref<10000xf32, #tpu.memory_space<vmem>>) dst(%dma_wait3A_366 : memref<10000xf32, #tpu.memory_space<vmem_shared>>)
      %add3A_369 = arith.constant 90000 : i32
      %add3A_370 = arith.addi %multiple_of3A, %add3A_369 : i32
      %dma_start3A_371 = arith.constant 0 : i32
      %dma_start3A_372 = tpu.memref_slice %arg9[%dma_start3A_371] : memref<12800xf32, #tpu.memory_space<vmem>> -> memref<10000xf32, #tpu.memory_space<vmem>>
      %dma_start3A_373 = tpu.memref_slice %arg2[%add3A_370] : memref<1000000xf32, #tpu.memory_space<hbm>> -> memref<10000xf32, #tpu.memory_space<hbm>>
      %dma_start3A_374 = arith.constant 0 : i32
      %dma_start3A_375 = tpu.memref_slice %arg9[%dma_start3A_374] : memref<12800xf32, #tpu.memory_space<vmem>> -> memref<10000xf32, #tpu.memory_space<vmem>>
      %dma_start3A_376 = tpu.memref_slice %arg2[%add3A_370] : memref<1000000xf32, #tpu.memory_space<hbm>> -> memref<10000xf32, #tpu.memory_space<hbm>>
      tpu.enqueue_dma source(%dma_start3A_376 : memref<10000xf32, #tpu.memory_space<hbm>>) target(%dma_start3A_375 : memref<10000xf32, #tpu.memory_space<vmem>>) target_semaphore(%arg13 : memref<!tpu.dma_semaphore, #tpu.memory_space<semaphore_mem>>)
      %dma_start3A_377 = arith.constant 0 : i32
      %dma_start3A_378 = tpu.memref_slice %arg8[%dma_start3A_377] : memref<12800xf32, #tpu.memory_space<vmem>> -> memref<10000xf32, #tpu.memory_space<vmem>>
      %dma_start3A_379 = tpu.memref_slice %arg5[%add3A_356] : memref<1000000xf32, #tpu.memory_space<vmem_shared>> -> memref<10000xf32, #tpu.memory_space<vmem_shared>>
      %dma_start3A_380 = tpu.memref_slice %arg5[%add3A_356] : memref<1000000xf32, #tpu.memory_space<vmem_shared>> -> memref<10000xf32, #tpu.memory_space<vmem_shared>>
      %dma_start3A_381 = arith.constant 0 : i32
      %dma_start3A_382 = tpu.memref_slice %arg8[%dma_start3A_381] : memref<12800xf32, #tpu.memory_space<vmem>> -> memref<10000xf32, #tpu.memory_space<vmem>>
      tpu.enqueue_dma source(%dma_start3A_382 : memref<10000xf32, #tpu.memory_space<vmem>>) target(%dma_start3A_380 : memref<10000xf32, #tpu.memory_space<vmem_shared>>) target_semaphore(%arg14 : memref<!tpu.dma_semaphore, #tpu.memory_space<semaphore_mem>>)
      %add3A_383 = arith.constant 90000 : i32
      %add3A_384 = arith.addi %multiple_of3A, %add3A_383 : i32
      %dma_wait3A_385 = arith.constant 0 : i32
      %dma_wait3A_386 = tpu.memref_slice %arg9[%dma_wait3A_385] : memref<12800xf32, #tpu.memory_space<vmem>> -> memref<10000xf32, #tpu.memory_space<vmem>>
      %dma_wait3A_387 = tpu.memref_slice %arg2[%add3A_370] : memref<1000000xf32, #tpu.memory_space<hbm>> -> memref<10000xf32, #tpu.memory_space<hbm>>
      %dma_wait3A_388 = arith.constant 0 : i32
      %dma_wait3A_389 = tpu.memref_slice %arg9[%dma_wait3A_388] : memref<12800xf32, #tpu.memory_space<vmem>> -> memref<10000xf32, #tpu.memory_space<vmem>>
      %dma_wait3A_390 = tpu.memref_slice %arg2[%add3A_370] : memref<1000000xf32, #tpu.memory_space<hbm>> -> memref<10000xf32, #tpu.memory_space<hbm>>
      tpu.wait_dma2 semaphore(%arg13 : memref<!tpu.dma_semaphore, #tpu.memory_space<semaphore_mem>>) src(%dma_wait3A_390 : memref<10000xf32, #tpu.memory_space<hbm>>) dst(%dma_wait3A_389 : memref<10000xf32, #tpu.memory_space<vmem>>)
      %dma_wait3A_391 = arith.constant 0 : i32
      %dma_wait3A_392 = tpu.memref_slice %arg8[%dma_wait3A_391] : memref<12800xf32, #tpu.memory_space<vmem>> -> memref<10000xf32, #tpu.memory_space<vmem>>
      %dma_wait3A_393 = tpu.memref_slice %arg5[%add3A_356] : memref<1000000xf32, #tpu.memory_space<vmem_shared>> -> memref<10000xf32, #tpu.memory_space<vmem_shared>>
      %dma_wait3A_394 = tpu.memref_slice %arg5[%add3A_356] : memref<1000000xf32, #tpu.memory_space<vmem_shared>> -> memref<10000xf32, #tpu.memory_space<vmem_shared>>
      %dma_wait3A_395 = arith.constant 0 : i32
      %dma_wait3A_396 = tpu.memref_slice %arg8[%dma_wait3A_395] : memref<12800xf32, #tpu.memory_space<vmem>> -> memref<10000xf32, #tpu.memory_space<vmem>>
      tpu.wait_dma2 semaphore(%arg14 : memref<!tpu.dma_semaphore, #tpu.memory_space<semaphore_mem>>) src(%dma_wait3A_396 : memref<10000xf32, #tpu.memory_space<vmem>>) dst(%dma_wait3A_394 : memref<10000xf32, #tpu.memory_space<vmem_shared>>)
      %dma_start3A_397 = arith.constant 0 : i32
      %dma_start3A_398 = tpu.memref_slice %arg9[%dma_start3A_397] : memref<12800xf32, #tpu.memory_space<vmem>> -> memref<10000xf32, #tpu.memory_space<vmem>>
      %dma_start3A_399 = tpu.memref_slice %arg5[%add3A_384] : memref<1000000xf32, #tpu.memory_space<vmem_shared>> -> memref<10000xf32, #tpu.memory_space<vmem_shared>>
      %dma_start3A_400 = tpu.memref_slice %arg5[%add3A_384] : memref<1000000xf32, #tpu.memory_space<vmem_shared>> -> memref<10000xf32, #tpu.memory_space<vmem_shared>>
      %dma_start3A_401 = arith.constant 0 : i32
      %dma_start3A_402 = tpu.memref_slice %arg9[%dma_start3A_401] : memref<12800xf32, #tpu.memory_space<vmem>> -> memref<10000xf32, #tpu.memory_space<vmem>>
      tpu.enqueue_dma source(%dma_start3A_402 : memref<10000xf32, #tpu.memory_space<vmem>>) target(%dma_start3A_400 : memref<10000xf32, #tpu.memory_space<vmem_shared>>) target_semaphore(%arg15 : memref<!tpu.dma_semaphore, #tpu.memory_space<semaphore_mem>>)
      %dma_wait3A_403 = arith.constant 0 : i32
      %dma_wait3A_404 = tpu.memref_slice %arg9[%dma_wait3A_403] : memref<12800xf32, #tpu.memory_space<vmem>> -> memref<10000xf32, #tpu.memory_space<vmem>>
      %dma_wait3A_405 = tpu.memref_slice %arg5[%add3A_384] : memref<1000000xf32, #tpu.memory_space<vmem_shared>> -> memref<10000xf32, #tpu.memory_space<vmem_shared>>
      %dma_wait3A_406 = tpu.memref_slice %arg5[%add3A_384] : memref<1000000xf32, #tpu.memory_space<vmem_shared>> -> memref<10000xf32, #tpu.memory_space<vmem_shared>>
      %dma_wait3A_407 = arith.constant 0 : i32
      %dma_wait3A_408 = tpu.memref_slice %arg9[%dma_wait3A_407] : memref<12800xf32, #tpu.memory_space<vmem>> -> memref<10000xf32, #tpu.memory_space<vmem>>
      tpu.wait_dma2 semaphore(%arg15 : memref<!tpu.dma_semaphore, #tpu.memory_space<semaphore_mem>>) src(%dma_wait3A_408 : memref<10000xf32, #tpu.memory_space<vmem>>) dst(%dma_wait3A_406 : memref<10000xf32, #tpu.memory_space<vmem_shared>>)
    } else {
    }
    %barrier3A = arith.constant 0 : index
    tpu.barrier barrier_id(%barrier3A)
    %add3A_10 = arith.constant 0 : i32
    %add3A_11 = arith.addi %mul3A_2, %add3A_10 : i32
    %dma_wait3A = tpu.memref_slice %arg3[%mul3A_2] : memref<3276800xi32, #tpu.memory_space<hbm>> -> memref<12800xi32, #tpu.memory_space<hbm>>
    %dma_wait3A_12 = tpu.memref_slice %arg3[%mul3A_2] : memref<3276800xi32, #tpu.memory_space<hbm>> -> memref<12800xi32, #tpu.memory_space<hbm>>
    tpu.wait_dma2 semaphore(%arg10 : memref<!tpu.dma_semaphore, #tpu.memory_space<semaphore_mem>>) src(%dma_wait3A_12 : memref<12800xi32, #tpu.memory_space<hbm>>) dst(%arg6 : memref<12800xi32, #tpu.memory_space<vmem>>)
    %dma_start3A_13 = arith.constant 0 : i32
    %dma_start3A_14 = tpu.memref_slice %arg5[%dma_start3A_13] : memref<1000000xf32, #tpu.memory_space<vmem_shared>> -> memref<1000000xf32, #tpu.memory_space<vmem_shared>>
    tpu.enqueue_indirect_dma source(%dma_start3A_14 : memref<1000000xf32, #tpu.memory_space<vmem_shared>>) target(%arg8 : memref<12800xf32, #tpu.memory_space<vmem>>) offsets(%arg6 : memref<12800xi32, #tpu.memory_space<vmem>>) semaphore(%arg12 : memref<!tpu.dma_semaphore, #tpu.memory_space<semaphore_mem>>)
    %dma_wait3A_15 = arith.constant 0 : i32
    %dma_wait3A_16 = tpu.memref_slice %arg5[%dma_wait3A_15] : memref<1000000xf32, #tpu.memory_space<vmem_shared>> -> memref<1000000xf32, #tpu.memory_space<vmem_shared>>
    tpu.wait_indirect_dma semaphore(%arg12 : memref<!tpu.dma_semaphore, #tpu.memory_space<semaphore_mem>>) src(%dma_wait3A_16 : memref<1000000xf32, #tpu.memory_space<vmem_shared>>) dst(%arg8 : memref<12800xf32, #tpu.memory_space<vmem>>)
    %add3A_17 = arith.constant 25600 : i32
    %add3A_18 = arith.addi %add3A_11, %add3A_17 : i32
    %dma_start3A_19 = tpu.memref_slice %arg3[%add3A_18] : memref<3276800xi32, #tpu.memory_space<hbm>> -> memref<12800xi32, #tpu.memory_space<hbm>>
    %dma_start3A_20 = tpu.memref_slice %arg3[%add3A_18] : memref<3276800xi32, #tpu.memory_space<hbm>> -> memref<12800xi32, #tpu.memory_space<hbm>>
    tpu.enqueue_dma source(%dma_start3A_20 : memref<12800xi32, #tpu.memory_space<hbm>>) target(%arg6 : memref<12800xi32, #tpu.memory_space<vmem>>) target_semaphore(%arg10 : memref<!tpu.dma_semaphore, #tpu.memory_space<semaphore_mem>>)
    %dma_start3A_21 = tpu.memref_slice %arg4[%add3A_11] : memref<3276800xf32, #tpu.memory_space<hbm>> -> memref<12800xf32, #tpu.memory_space<hbm>>
    %dma_start3A_22 = tpu.memref_slice %arg4[%add3A_11] : memref<3276800xf32, #tpu.memory_space<hbm>> -> memref<12800xf32, #tpu.memory_space<hbm>>
    tpu.enqueue_dma source(%arg8 : memref<12800xf32, #tpu.memory_space<vmem>>) target(%dma_start3A_22 : memref<12800xf32, #tpu.memory_space<hbm>>) target_semaphore(%arg14 : memref<!tpu.dma_semaphore, #tpu.memory_space<semaphore_mem>>)
    %add3A_23 = arith.constant 12800 : i32
    %add3A_24 = arith.addi %mul3A_2, %add3A_23 : i32
    %dma_wait3A_25 = tpu.memref_slice %arg3[%add3A_5] : memref<3276800xi32, #tpu.memory_space<hbm>> -> memref<12800xi32, #tpu.memory_space<hbm>>
    %dma_wait3A_26 = tpu.memref_slice %arg3[%add3A_5] : memref<3276800xi32, #tpu.memory_space<hbm>> -> memref<12800xi32, #tpu.memory_space<hbm>>
    tpu.wait_dma2 semaphore(%arg11 : memref<!tpu.dma_semaphore, #tpu.memory_space<semaphore_mem>>) src(%dma_wait3A_26 : memref<12800xi32, #tpu.memory_space<hbm>>) dst(%arg7 : memref<12800xi32, #tpu.memory_space<vmem>>)
    %dma_start3A_27 = arith.constant 0 : i32
    %dma_start3A_28 = tpu.memref_slice %arg5[%dma_start3A_27] : memref<1000000xf32, #tpu.memory_space<vmem_shared>> -> memref<1000000xf32, #tpu.memory_space<vmem_shared>>
    tpu.enqueue_indirect_dma source(%dma_start3A_28 : memref<1000000xf32, #tpu.memory_space<vmem_shared>>) target(%arg9 : memref<12800xf32, #tpu.memory_space<vmem>>) offsets(%arg7 : memref<12800xi32, #tpu.memory_space<vmem>>) semaphore(%arg13 : memref<!tpu.dma_semaphore, #tpu.memory_space<semaphore_mem>>)
    %dma_wait3A_29 = arith.constant 0 : i32
    %dma_wait3A_30 = tpu.memref_slice %arg5[%dma_wait3A_29] : memref<1000000xf32, #tpu.memory_space<vmem_shared>> -> memref<1000000xf32, #tpu.memory_space<vmem_shared>>
    tpu.wait_indirect_dma semaphore(%arg13 : memref<!tpu.dma_semaphore, #tpu.memory_space<semaphore_mem>>) src(%dma_wait3A_30 : memref<1000000xf32, #tpu.memory_space<vmem_shared>>) dst(%arg9 : memref<12800xf32, #tpu.memory_space<vmem>>)
    %add3A_31 = arith.constant 25600 : i32
    %add3A_32 = arith.addi %add3A_24, %add3A_31 : i32
    %dma_start3A_33 = tpu.memref_slice %arg3[%add3A_32] : memref<3276800xi32, #tpu.memory_space<hbm>> -> memref<12800xi32, #tpu.memory_space<hbm>>
    %dma_start3A_34 = tpu.memref_slice %arg3[%add3A_32] : memref<3276800xi32, #tpu.memory_space<hbm>> -> memref<12800xi32, #tpu.memory_space<hbm>>
    tpu.enqueue_dma source(%dma_start3A_34 : memref<12800xi32, #tpu.memory_space<hbm>>) target(%arg7 : memref<12800xi32, #tpu.memory_space<vmem>>) target_semaphore(%arg11 : memref<!tpu.dma_semaphore, #tpu.memory_space<semaphore_mem>>)
    %dma_start3A_35 = tpu.memref_slice %arg4[%add3A_24] : memref<3276800xf32, #tpu.memory_space<hbm>> -> memref<12800xf32, #tpu.memory_space<hbm>>
    %dma_start3A_36 = tpu.memref_slice %arg4[%add3A_24] : memref<3276800xf32, #tpu.memory_space<hbm>> -> memref<12800xf32, #tpu.memory_space<hbm>>
    tpu.enqueue_dma source(%arg9 : memref<12800xf32, #tpu.memory_space<vmem>>) target(%dma_start3A_36 : memref<12800xf32, #tpu.memory_space<hbm>>) target_semaphore(%arg15 : memref<!tpu.dma_semaphore, #tpu.memory_space<semaphore_mem>>)
    %add3A_37 = arith.constant 25600 : i32
    %add3A_38 = arith.addi %mul3A_2, %add3A_37 : i32
    %dma_wait3A_39 = tpu.memref_slice %arg3[%add3A_18] : memref<3276800xi32, #tpu.memory_space<hbm>> -> memref<12800xi32, #tpu.memory_space<hbm>>
    %dma_wait3A_40 = tpu.memref_slice %arg3[%add3A_18] : memref<3276800xi32, #tpu.memory_space<hbm>> -> memref<12800xi32, #tpu.memory_space<hbm>>
    tpu.wait_dma2 semaphore(%arg10 : memref<!tpu.dma_semaphore, #tpu.memory_space<semaphore_mem>>) src(%dma_wait3A_40 : memref<12800xi32, #tpu.memory_space<hbm>>) dst(%arg6 : memref<12800xi32, #tpu.memory_space<vmem>>)
    %dma_wait3A_41 = tpu.memref_slice %arg4[%add3A_11] : memref<3276800xf32, #tpu.memory_space<hbm>> -> memref<12800xf32, #tpu.memory_space<hbm>>
    %dma_wait3A_42 = tpu.memref_slice %arg4[%add3A_11] : memref<3276800xf32, #tpu.memory_space<hbm>> -> memref<12800xf32, #tpu.memory_space<hbm>>
    tpu.wait_dma2 semaphore(%arg14 : memref<!tpu.dma_semaphore, #tpu.memory_space<semaphore_mem>>) src(%arg8 : memref<12800xf32, #tpu.memory_space<vmem>>) dst(%dma_wait3A_42 : memref<12800xf32, #tpu.memory_space<hbm>>)
    %dma_start3A_43 = arith.constant 0 : i32
    %dma_start3A_44 = tpu.memref_slice %arg5[%dma_start3A_43] : memref<1000000xf32, #tpu.memory_space<vmem_shared>> -> memref<1000000xf32, #tpu.memory_space<vmem_shared>>
    tpu.enqueue_indirect_dma source(%dma_start3A_44 : memref<1000000xf32, #tpu.memory_space<vmem_shared>>) target(%arg8 : memref<12800xf32, #tpu.memory_space<vmem>>) offsets(%arg6 : memref<12800xi32, #tpu.memory_space<vmem>>) semaphore(%arg12 : memref<!tpu.dma_semaphore, #tpu.memory_space<semaphore_mem>>)
    %dma_wait3A_45 = arith.constant 0 : i32
    %dma_wait3A_46 = tpu.memref_slice %arg5[%dma_wait3A_45] : memref<1000000xf32, #tpu.memory_space<vmem_shared>> -> memref<1000000xf32, #tpu.memory_space<vmem_shared>>
    tpu.wait_indirect_dma semaphore(%arg12 : memref<!tpu.dma_semaphore, #tpu.memory_space<semaphore_mem>>) src(%dma_wait3A_46 : memref<1000000xf32, #tpu.memory_space<vmem_shared>>) dst(%arg8 : memref<12800xf32, #tpu.memory_space<vmem>>)
    %add3A_47 = arith.constant 25600 : i32
    %add3A_48 = arith.addi %add3A_38, %add3A_47 : i32
    %dma_start3A_49 = tpu.memref_slice %arg3[%add3A_48] : memref<3276800xi32, #tpu.memory_space<hbm>> -> memref<12800xi32, #tpu.memory_space<hbm>>
    %dma_start3A_50 = tpu.memref_slice %arg3[%add3A_48] : memref<3276800xi32, #tpu.memory_space<hbm>> -> memref<12800xi32, #tpu.memory_space<hbm>>
    tpu.enqueue_dma source(%dma_start3A_50 : memref<12800xi32, #tpu.memory_space<hbm>>) target(%arg6 : memref<12800xi32, #tpu.memory_space<vmem>>) target_semaphore(%arg10 : memref<!tpu.dma_semaphore, #tpu.memory_space<semaphore_mem>>)
    %dma_start3A_51 = tpu.memref_slice %arg4[%add3A_38] : memref<3276800xf32, #tpu.memory_space<hbm>> -> memref<12800xf32, #tpu.memory_space<hbm>>
    %dma_start3A_52 = tpu.memref_slice %arg4[%add3A_38] : memref<3276800xf32, #tpu.memory_space<hbm>> -> memref<12800xf32, #tpu.memory_space<hbm>>
    tpu.enqueue_dma source(%arg8 : memref<12800xf32, #tpu.memory_space<vmem>>) target(%dma_start3A_52 : memref<12800xf32, #tpu.memory_space<hbm>>) target_semaphore(%arg14 : memref<!tpu.dma_semaphore, #tpu.memory_space<semaphore_mem>>)
    %add3A_53 = arith.constant 38400 : i32
    %add3A_54 = arith.addi %mul3A_2, %add3A_53 : i32
    %dma_wait3A_55 = tpu.memref_slice %arg3[%add3A_32] : memref<3276800xi32, #tpu.memory_space<hbm>> -> memref<12800xi32, #tpu.memory_space<hbm>>
    %dma_wait3A_56 = tpu.memref_slice %arg3[%add3A_32] : memref<3276800xi32, #tpu.memory_space<hbm>> -> memref<12800xi32, #tpu.memory_space<hbm>>
    tpu.wait_dma2 semaphore(%arg11 : memref<!tpu.dma_semaphore, #tpu.memory_space<semaphore_mem>>) src(%dma_wait3A_56 : memref<12800xi32, #tpu.memory_space<hbm>>) dst(%arg7 : memref<12800xi32, #tpu.memory_space<vmem>>)
    %dma_wait3A_57 = tpu.memref_slice %arg4[%add3A_24] : memref<3276800xf32, #tpu.memory_space<hbm>> -> memref<12800xf32, #tpu.memory_space<hbm>>
    %dma_wait3A_58 = tpu.memref_slice %arg4[%add3A_24] : memref<3276800xf32, #tpu.memory_space<hbm>> -> memref<12800xf32, #tpu.memory_space<hbm>>
    tpu.wait_dma2 semaphore(%arg15 : memref<!tpu.dma_semaphore, #tpu.memory_space<semaphore_mem>>) src(%arg9 : memref<12800xf32, #tpu.memory_space<vmem>>) dst(%dma_wait3A_58 : memref<12800xf32, #tpu.memory_space<hbm>>)
    %dma_start3A_59 = arith.constant 0 : i32
    %dma_start3A_60 = tpu.memref_slice %arg5[%dma_start3A_59] : memref<1000000xf32, #tpu.memory_space<vmem_shared>> -> memref<1000000xf32, #tpu.memory_space<vmem_shared>>
    tpu.enqueue_indirect_dma source(%dma_start3A_60 : memref<1000000xf32, #tpu.memory_space<vmem_shared>>) target(%arg9 : memref<12800xf32, #tpu.memory_space<vmem>>) offsets(%arg7 : memref<12800xi32, #tpu.memory_space<vmem>>) semaphore(%arg13 : memref<!tpu.dma_semaphore, #tpu.memory_space<semaphore_mem>>)
    %dma_wait3A_61 = arith.constant 0 : i32
    %dma_wait3A_62 = tpu.memref_slice %arg5[%dma_wait3A_61] : memref<1000000xf32, #tpu.memory_space<vmem_shared>> -> memref<1000000xf32, #tpu.memory_space<vmem_shared>>
    tpu.wait_indirect_dma semaphore(%arg13 : memref<!tpu.dma_semaphore, #tpu.memory_space<semaphore_mem>>) src(%dma_wait3A_62 : memref<1000000xf32, #tpu.memory_space<vmem_shared>>) dst(%arg9 : memref<12800xf32, #tpu.memory_space<vmem>>)
    %add3A_63 = arith.constant 25600 : i32
    %add3A_64 = arith.addi %add3A_54, %add3A_63 : i32
    %dma_start3A_65 = tpu.memref_slice %arg3[%add3A_64] : memref<3276800xi32, #tpu.memory_space<hbm>> -> memref<12800xi32, #tpu.memory_space<hbm>>
    %dma_start3A_66 = tpu.memref_slice %arg3[%add3A_64] : memref<3276800xi32, #tpu.memory_space<hbm>> -> memref<12800xi32, #tpu.memory_space<hbm>>
    tpu.enqueue_dma source(%dma_start3A_66 : memref<12800xi32, #tpu.memory_space<hbm>>) target(%arg7 : memref<12800xi32, #tpu.memory_space<vmem>>) target_semaphore(%arg11 : memref<!tpu.dma_semaphore, #tpu.memory_space<semaphore_mem>>)
    %dma_start3A_67 = tpu.memref_slice %arg4[%add3A_54] : memref<3276800xf32, #tpu.memory_space<hbm>> -> memref<12800xf32, #tpu.memory_space<hbm>>
    %dma_start3A_68 = tpu.memref_slice %arg4[%add3A_54] : memref<3276800xf32, #tpu.memory_space<hbm>> -> memref<12800xf32, #tpu.memory_space<hbm>>
    tpu.enqueue_dma source(%arg9 : memref<12800xf32, #tpu.memory_space<vmem>>) target(%dma_start3A_68 : memref<12800xf32, #tpu.memory_space<hbm>>) target_semaphore(%arg15 : memref<!tpu.dma_semaphore, #tpu.memory_space<semaphore_mem>>)
    %add3A_69 = arith.constant 51200 : i32
    %add3A_70 = arith.addi %mul3A_2, %add3A_69 : i32
    %dma_wait3A_71 = tpu.memref_slice %arg3[%add3A_48] : memref<3276800xi32, #tpu.memory_space<hbm>> -> memref<12800xi32, #tpu.memory_space<hbm>>
    %dma_wait3A_72 = tpu.memref_slice %arg3[%add3A_48] : memref<3276800xi32, #tpu.memory_space<hbm>> -> memref<12800xi32, #tpu.memory_space<hbm>>
    tpu.wait_dma2 semaphore(%arg10 : memref<!tpu.dma_semaphore, #tpu.memory_space<semaphore_mem>>) src(%dma_wait3A_72 : memref<12800xi32, #tpu.memory_space<hbm>>) dst(%arg6 : memref<12800xi32, #tpu.memory_space<vmem>>)
    %dma_wait3A_73 = tpu.memref_slice %arg4[%add3A_38] : memref<3276800xf32, #tpu.memory_space<hbm>> -> memref<12800xf32, #tpu.memory_space<hbm>>
    %dma_wait3A_74 = tpu.memref_slice %arg4[%add3A_38] : memref<3276800xf32, #tpu.memory_space<hbm>> -> memref<12800xf32, #tpu.memory_space<hbm>>
    tpu.wait_dma2 semaphore(%arg14 : memref<!tpu.dma_semaphore, #tpu.memory_space<semaphore_mem>>) src(%arg8 : memref<12800xf32, #tpu.memory_space<vmem>>) dst(%dma_wait3A_74 : memref<12800xf32, #tpu.memory_space<hbm>>)
    %dma_start3A_75 = arith.constant 0 : i32
    %dma_start3A_76 = tpu.memref_slice %arg5[%dma_start3A_75] : memref<1000000xf32, #tpu.memory_space<vmem_shared>> -> memref<1000000xf32, #tpu.memory_space<vmem_shared>>
    tpu.enqueue_indirect_dma source(%dma_start3A_76 : memref<1000000xf32, #tpu.memory_space<vmem_shared>>) target(%arg8 : memref<12800xf32, #tpu.memory_space<vmem>>) offsets(%arg6 : memref<12800xi32, #tpu.memory_space<vmem>>) semaphore(%arg12 : memref<!tpu.dma_semaphore, #tpu.memory_space<semaphore_mem>>)
    %dma_wait3A_77 = arith.constant 0 : i32
    %dma_wait3A_78 = tpu.memref_slice %arg5[%dma_wait3A_77] : memref<1000000xf32, #tpu.memory_space<vmem_shared>> -> memref<1000000xf32, #tpu.memory_space<vmem_shared>>
    tpu.wait_indirect_dma semaphore(%arg12 : memref<!tpu.dma_semaphore, #tpu.memory_space<semaphore_mem>>) src(%dma_wait3A_78 : memref<1000000xf32, #tpu.memory_space<vmem_shared>>) dst(%arg8 : memref<12800xf32, #tpu.memory_space<vmem>>)
    %add3A_79 = arith.constant 25600 : i32
    %add3A_80 = arith.addi %add3A_70, %add3A_79 : i32
    %dma_start3A_81 = tpu.memref_slice %arg3[%add3A_80] : memref<3276800xi32, #tpu.memory_space<hbm>> -> memref<12800xi32, #tpu.memory_space<hbm>>
    %dma_start3A_82 = tpu.memref_slice %arg3[%add3A_80] : memref<3276800xi32, #tpu.memory_space<hbm>> -> memref<12800xi32, #tpu.memory_space<hbm>>
    tpu.enqueue_dma source(%dma_start3A_82 : memref<12800xi32, #tpu.memory_space<hbm>>) target(%arg6 : memref<12800xi32, #tpu.memory_space<vmem>>) target_semaphore(%arg10 : memref<!tpu.dma_semaphore, #tpu.memory_space<semaphore_mem>>)
    %dma_start3A_83 = tpu.memref_slice %arg4[%add3A_70] : memref<3276800xf32, #tpu.memory_space<hbm>> -> memref<12800xf32, #tpu.memory_space<hbm>>
    %dma_start3A_84 = tpu.memref_slice %arg4[%add3A_70] : memref<3276800xf32, #tpu.memory_space<hbm>> -> memref<12800xf32, #tpu.memory_space<hbm>>
    tpu.enqueue_dma source(%arg8 : memref<12800xf32, #tpu.memory_space<vmem>>) target(%dma_start3A_84 : memref<12800xf32, #tpu.memory_space<hbm>>) target_semaphore(%arg14 : memref<!tpu.dma_semaphore, #tpu.memory_space<semaphore_mem>>)
    %add3A_85 = arith.constant 64000 : i32
    %add3A_86 = arith.addi %mul3A_2, %add3A_85 : i32
    %dma_wait3A_87 = tpu.memref_slice %arg3[%add3A_64] : memref<3276800xi32, #tpu.memory_space<hbm>> -> memref<12800xi32, #tpu.memory_space<hbm>>
    %dma_wait3A_88 = tpu.memref_slice %arg3[%add3A_64] : memref<3276800xi32, #tpu.memory_space<hbm>> -> memref<12800xi32, #tpu.memory_space<hbm>>
    tpu.wait_dma2 semaphore(%arg11 : memref<!tpu.dma_semaphore, #tpu.memory_space<semaphore_mem>>) src(%dma_wait3A_88 : memref<12800xi32, #tpu.memory_space<hbm>>) dst(%arg7 : memref<12800xi32, #tpu.memory_space<vmem>>)
    %dma_wait3A_89 = tpu.memref_slice %arg4[%add3A_54] : memref<3276800xf32, #tpu.memory_space<hbm>> -> memref<12800xf32, #tpu.memory_space<hbm>>
    %dma_wait3A_90 = tpu.memref_slice %arg4[%add3A_54] : memref<3276800xf32, #tpu.memory_space<hbm>> -> memref<12800xf32, #tpu.memory_space<hbm>>
    tpu.wait_dma2 semaphore(%arg15 : memref<!tpu.dma_semaphore, #tpu.memory_space<semaphore_mem>>) src(%arg9 : memref<12800xf32, #tpu.memory_space<vmem>>) dst(%dma_wait3A_90 : memref<12800xf32, #tpu.memory_space<hbm>>)
    %dma_start3A_91 = arith.constant 0 : i32
    %dma_start3A_92 = tpu.memref_slice %arg5[%dma_start3A_91] : memref<1000000xf32, #tpu.memory_space<vmem_shared>> -> memref<1000000xf32, #tpu.memory_space<vmem_shared>>
    tpu.enqueue_indirect_dma source(%dma_start3A_92 : memref<1000000xf32, #tpu.memory_space<vmem_shared>>) target(%arg9 : memref<12800xf32, #tpu.memory_space<vmem>>) offsets(%arg7 : memref<12800xi32, #tpu.memory_space<vmem>>) semaphore(%arg13 : memref<!tpu.dma_semaphore, #tpu.memory_space<semaphore_mem>>)
    %dma_wait3A_93 = arith.constant 0 : i32
    %dma_wait3A_94 = tpu.memref_slice %arg5[%dma_wait3A_93] : memref<1000000xf32, #tpu.memory_space<vmem_shared>> -> memref<1000000xf32, #tpu.memory_space<vmem_shared>>
    tpu.wait_indirect_dma semaphore(%arg13 : memref<!tpu.dma_semaphore, #tpu.memory_space<semaphore_mem>>) src(%dma_wait3A_94 : memref<1000000xf32, #tpu.memory_space<vmem_shared>>) dst(%arg9 : memref<12800xf32, #tpu.memory_space<vmem>>)
    %add3A_95 = arith.constant 25600 : i32
    %add3A_96 = arith.addi %add3A_86, %add3A_95 : i32
    %dma_start3A_97 = tpu.memref_slice %arg3[%add3A_96] : memref<3276800xi32, #tpu.memory_space<hbm>> -> memref<12800xi32, #tpu.memory_space<hbm>>
    %dma_start3A_98 = tpu.memref_slice %arg3[%add3A_96] : memref<3276800xi32, #tpu.memory_space<hbm>> -> memref<12800xi32, #tpu.memory_space<hbm>>
    tpu.enqueue_dma source(%dma_start3A_98 : memref<12800xi32, #tpu.memory_space<hbm>>) target(%arg7 : memref<12800xi32, #tpu.memory_space<vmem>>) target_semaphore(%arg11 : memref<!tpu.dma_semaphore, #tpu.memory_space<semaphore_mem>>)
    %dma_start3A_99 = tpu.memref_slice %arg4[%add3A_86] : memref<3276800xf32, #tpu.memory_space<hbm>> -> memref<12800xf32, #tpu.memory_space<hbm>>
    %dma_start3A_100 = tpu.memref_slice %arg4[%add3A_86] : memref<3276800xf32, #tpu.memory_space<hbm>> -> memref<12800xf32, #tpu.memory_space<hbm>>
    tpu.enqueue_dma source(%arg9 : memref<12800xf32, #tpu.memory_space<vmem>>) target(%dma_start3A_100 : memref<12800xf32, #tpu.memory_space<hbm>>) target_semaphore(%arg15 : memref<!tpu.dma_semaphore, #tpu.memory_space<semaphore_mem>>)
    %add3A_101 = arith.constant 76800 : i32
    %add3A_102 = arith.addi %mul3A_2, %add3A_101 : i32
    %dma_wait3A_103 = tpu.memref_slice %arg3[%add3A_80] : memref<3276800xi32, #tpu.memory_space<hbm>> -> memref<12800xi32, #tpu.memory_space<hbm>>
    %dma_wait3A_104 = tpu.memref_slice %arg3[%add3A_80] : memref<3276800xi32, #tpu.memory_space<hbm>> -> memref<12800xi32, #tpu.memory_space<hbm>>
    tpu.wait_dma2 semaphore(%arg10 : memref<!tpu.dma_semaphore, #tpu.memory_space<semaphore_mem>>) src(%dma_wait3A_104 : memref<12800xi32, #tpu.memory_space<hbm>>) dst(%arg6 : memref<12800xi32, #tpu.memory_space<vmem>>)
    %dma_wait3A_105 = tpu.memref_slice %arg4[%add3A_70] : memref<3276800xf32, #tpu.memory_space<hbm>> -> memref<12800xf32, #tpu.memory_space<hbm>>
    %dma_wait3A_106 = tpu.memref_slice %arg4[%add3A_70] : memref<3276800xf32, #tpu.memory_space<hbm>> -> memref<12800xf32, #tpu.memory_space<hbm>>
    tpu.wait_dma2 semaphore(%arg14 : memref<!tpu.dma_semaphore, #tpu.memory_space<semaphore_mem>>) src(%arg8 : memref<12800xf32, #tpu.memory_space<vmem>>) dst(%dma_wait3A_106 : memref<12800xf32, #tpu.memory_space<hbm>>)
    %dma_start3A_107 = arith.constant 0 : i32
    %dma_start3A_108 = tpu.memref_slice %arg5[%dma_start3A_107] : memref<1000000xf32, #tpu.memory_space<vmem_shared>> -> memref<1000000xf32, #tpu.memory_space<vmem_shared>>
    tpu.enqueue_indirect_dma source(%dma_start3A_108 : memref<1000000xf32, #tpu.memory_space<vmem_shared>>) target(%arg8 : memref<12800xf32, #tpu.memory_space<vmem>>) offsets(%arg6 : memref<12800xi32, #tpu.memory_space<vmem>>) semaphore(%arg12 : memref<!tpu.dma_semaphore, #tpu.memory_space<semaphore_mem>>)
    %dma_wait3A_109 = arith.constant 0 : i32
    %dma_wait3A_110 = tpu.memref_slice %arg5[%dma_wait3A_109] : memref<1000000xf32, #tpu.memory_space<vmem_shared>> -> memref<1000000xf32, #tpu.memory_space<vmem_shared>>
    tpu.wait_indirect_dma semaphore(%arg12 : memref<!tpu.dma_semaphore, #tpu.memory_space<semaphore_mem>>) src(%dma_wait3A_110 : memref<1000000xf32, #tpu.memory_space<vmem_shared>>) dst(%arg8 : memref<12800xf32, #tpu.memory_space<vmem>>)
    %dma_start3A_111 = tpu.memref_slice %arg4[%add3A_102] : memref<3276800xf32, #tpu.memory_space<hbm>> -> memref<12800xf32, #tpu.memory_space<hbm>>
    %dma_start3A_112 = tpu.memref_slice %arg4[%add3A_102] : memref<3276800xf32, #tpu.memory_space<hbm>> -> memref<12800xf32, #tpu.memory_space<hbm>>
    tpu.enqueue_dma source(%arg8 : memref<12800xf32, #tpu.memory_space<vmem>>) target(%dma_start3A_112 : memref<12800xf32, #tpu.memory_space<hbm>>) target_semaphore(%arg14 : memref<!tpu.dma_semaphore, #tpu.memory_space<semaphore_mem>>)
    %add3A_113 = arith.constant 89600 : i32
    %add3A_114 = arith.addi %mul3A_2, %add3A_113 : i32
    %dma_wait3A_115 = tpu.memref_slice %arg3[%add3A_96] : memref<3276800xi32, #tpu.memory_space<hbm>> -> memref<12800xi32, #tpu.memory_space<hbm>>
    %dma_wait3A_116 = tpu.memref_slice %arg3[%add3A_96] : memref<3276800xi32, #tpu.memory_space<hbm>> -> memref<12800xi32, #tpu.memory_space<hbm>>
    tpu.wait_dma2 semaphore(%arg11 : memref<!tpu.dma_semaphore, #tpu.memory_space<semaphore_mem>>) src(%dma_wait3A_116 : memref<12800xi32, #tpu.memory_space<hbm>>) dst(%arg7 : memref<12800xi32, #tpu.memory_space<vmem>>)
    %dma_wait3A_117 = tpu.memref_slice %arg4[%add3A_86] : memref<3276800xf32, #tpu.memory_space<hbm>> -> memref<12800xf32, #tpu.memory_space<hbm>>
    %dma_wait3A_118 = tpu.memref_slice %arg4[%add3A_86] : memref<3276800xf32, #tpu.memory_space<hbm>> -> memref<12800xf32, #tpu.memory_space<hbm>>
    tpu.wait_dma2 semaphore(%arg15 : memref<!tpu.dma_semaphore, #tpu.memory_space<semaphore_mem>>) src(%arg9 : memref<12800xf32, #tpu.memory_space<vmem>>) dst(%dma_wait3A_118 : memref<12800xf32, #tpu.memory_space<hbm>>)
    %dma_start3A_119 = arith.constant 0 : i32
    %dma_start3A_120 = tpu.memref_slice %arg5[%dma_start3A_119] : memref<1000000xf32, #tpu.memory_space<vmem_shared>> -> memref<1000000xf32, #tpu.memory_space<vmem_shared>>
    tpu.enqueue_indirect_dma source(%dma_start3A_120 : memref<1000000xf32, #tpu.memory_space<vmem_shared>>) target(%arg9 : memref<12800xf32, #tpu.memory_space<vmem>>) offsets(%arg7 : memref<12800xi32, #tpu.memory_space<vmem>>) semaphore(%arg13 : memref<!tpu.dma_semaphore, #tpu.memory_space<semaphore_mem>>)
    %dma_wait3A_121 = arith.constant 0 : i32
    %dma_wait3A_122 = tpu.memref_slice %arg5[%dma_wait3A_121] : memref<1000000xf32, #tpu.memory_space<vmem_shared>> -> memref<1000000xf32, #tpu.memory_space<vmem_shared>>
    tpu.wait_indirect_dma semaphore(%arg13 : memref<!tpu.dma_semaphore, #tpu.memory_space<semaphore_mem>>) src(%dma_wait3A_122 : memref<1000000xf32, #tpu.memory_space<vmem_shared>>) dst(%arg9 : memref<12800xf32, #tpu.memory_space<vmem>>)
    %dma_start3A_123 = tpu.memref_slice %arg4[%add3A_114] : memref<3276800xf32, #tpu.memory_space<hbm>> -> memref<12800xf32, #tpu.memory_space<hbm>>
    %dma_start3A_124 = tpu.memref_slice %arg4[%add3A_114] : memref<3276800xf32, #tpu.memory_space<hbm>> -> memref<12800xf32, #tpu.memory_space<hbm>>
    tpu.enqueue_dma source(%arg9 : memref<12800xf32, #tpu.memory_space<vmem>>) target(%dma_start3A_124 : memref<12800xf32, #tpu.memory_space<hbm>>) target_semaphore(%arg15 : memref<!tpu.dma_semaphore, #tpu.memory_space<semaphore_mem>>)
    %dma_wait3A_125 = tpu.memref_slice %arg4[%add3A_102] : memref<3276800xf32, #tpu.memory_space<hbm>> -> memref<12800xf32, #tpu.memory_space<hbm>>
    %dma_wait3A_126 = tpu.memref_slice %arg4[%add3A_102] : memref<3276800xf32, #tpu.memory_space<hbm>> -> memref<12800xf32, #tpu.memory_space<hbm>>
    tpu.wait_dma2 semaphore(%arg14 : memref<!tpu.dma_semaphore, #tpu.memory_space<semaphore_mem>>) src(%arg8 : memref<12800xf32, #tpu.memory_space<vmem>>) dst(%dma_wait3A_126 : memref<12800xf32, #tpu.memory_space<hbm>>)
    %dma_wait3A_127 = tpu.memref_slice %arg4[%add3A_114] : memref<3276800xf32, #tpu.memory_space<hbm>> -> memref<12800xf32, #tpu.memory_space<hbm>>
    %dma_wait3A_128 = tpu.memref_slice %arg4[%add3A_114] : memref<3276800xf32, #tpu.memory_space<hbm>> -> memref<12800xf32, #tpu.memory_space<hbm>>
    tpu.wait_dma2 semaphore(%arg15 : memref<!tpu.dma_semaphore, #tpu.memory_space<semaphore_mem>>) src(%arg9 : memref<12800xf32, #tpu.memory_space<vmem>>) dst(%dma_wait3A_128 : memref<12800xf32, #tpu.memory_space<hbm>>)
    return
  }
}

</mosaic_0001>

<sc_bundles>
// kernel: kernel.3.cloned.1.call-start
scs
__scs_entry_jumppad:
0x0: {  	(pc) =	sbr.rel $0x88, $3  }
0x1: {  	(tag) =	ssettag $0x0;
	lr =	simm.s32 $0x1  }
0x2: {  	[smem:$0x3F9F] =	sst lr;
	_ =	strace $0xD0000000  }
0x3: {  	_ = 	snop  }
0x4: {  	_ = 	snop  }
0x5: {  	_ = 	snop  }
0x6: {  	_ = 	snop  }
0x7: {  	_ = 	snop  }
__scs_overlays_trampoline_lowered:
0x8: {  	[smem:$0x3FAE] =	sst s0  }
0x9: {  	[smem:$0x3FAF] =	sst s1  }
0xa: {  	[smem:$0x3FB0] =	sst s2  }
0xb: {  	[smem:$0x3FB1] =	sst s3  }
0xc: {  	[smem:$0x3FB2] =	sst s4  }
0xd: {  	[smem:$0x3FB3] =	sst s5  }
0xe: {  	[smem:$0x3FB4] =	sst s6  }
0xf: {  	[smem:$0x3FB5] =	sst s7  }
0x10: {  	[smem:$0x3FB6] =	sst s8  }
0x11: {  	[smem:$0x3FB7] =	sst s9;
	s0 =	simm.s32 @!p0 $0x0  }
0x12: {  	s1 =	sld [smem:$0x3F9D];
	s0 =	simm.s32 @p0 $0x1  }
0x13: {  	[smem:$0x3FB8] =	sst s0;
	s0 =	simm.s32 @!p1 $0x0  }
0x14: {  	s2 =	sld [smem:$0x3F9C];
	s0 =	simm.s32 @p1 $0x1  }
0x15: {  	[smem:$0x3FB9] =	sst s0;
	s0 =	simm.s32 @!p2 $0x0  }
0x16: {  	s3 =	sld [smem:$0x3FDB];
	s0 =	simm.s32 @p2 $0x1  }
0x17: {  	s4 =	simm.s32 $0x1BF5;
	[smem:$0x3FBB] =	sst s0  }
0x18: {  	s0 =	sld [smem:$0x3F9E];
	_ =	swait.ge [sflag:s4], $0x0  }
0x19: {  	s7 =	sld [smem:$0x3F9F]  }
0x1a: {  	s8 =	sadd.s32 $0xFFFFE003, lr  }
0x1b: {  	s9 =	sadd.s32 $0xFFFFFEF7, lr;
	s5 =	simm.s32 $0xFFFFFFFF;
	p2 =	slt.u32 s8, $0xFFFFF086  }
0x1c: {  	p1 =	slt.u32 s9, $0xF7A;
	s5 =	simm.s32 @!p2 $0x0  }
0x1d: {  	s5 =	simm.s32 @p1 $0x1;
	p0 =	seq.s32 s7, s2  }
0x1e: {  	s7 =	smul.u32 @!p0 $0xF7A, s2;
	p2 =	seq.s32 @!p0 s5, $0x0  }
0x1f: {  	s9 =	smul.u32 $0xF7A, s1;
	s8 =	simm.s32 @!p0 $0x1BF5;
	p2 =	por !p2, p0  }
0x20: {  	[sflag:s8] =	ssyncset.s32 @!p0 $0xFFFFF086;
	s6 =	sadd.s32 @!p0 s3, s7;
	s7 =	simm.s32 @!p0 $0x108  }
0x21: {  	s3 =	sadd.s32 s3, s9;
	s6 =	sadd.s32 @!p0 $0x88, s6;
	s7 =	simm.s32 @p2 $0x1082  }
0x22: {  	[simem:s7], [sflag:s8] =	dma.local @!p0 [hbm:s6], $0xF7A  }
0x23: {  	s9 =	sor.u32 $0xD0000000, s2;
	s6 =	simm.s32 $0x108;
	_ =	swait.ge @!p0 [sflag:s8], $0x0  }
0x24: {  	s3 =	sadd.s32 $0x88, s3;
	s6 =	simm.s32 @!p1 $0x1082;
	[sflag:s4] =	ssyncset.s32 $0xFFFFF086  }
0x25: {  	[simem:s6], [sflag:s4] =	dma.local [hbm:s3], $0xF7A  }
0x26: {  	[smem:$0x3F9F] =	sst s1;
	(tag) =	ssettag s2;
	_ =	strace s9  }
0x27: {  	s1 =	sld [smem:$0x3FAF]  }
0x28: {  	s2 =	sld [smem:$0x3FB0]  }
0x29: {  	s4 =	sld [smem:$0x3FB2]  }
0x2a: {  	p0 =	seq.s32 s5, $0x0;
	s5 =	sld [smem:$0x3FB3]  }
0x2b: {  	s6 =	sld [smem:$0x3FB4]  }
0x2c: {  	s7 =	sld [smem:$0x3FB5]  }
0x2d: {  	s3 =	simm.s32 $0x108;
	s8 =	sld [smem:$0x3FB6]  }
0x2e: {  	s3 =	simm.s32 @!p0 $0x1082;
	s9 =	sld [smem:$0x3FB7]  }
0x2f: {  	lr =	sadd.s32 s0, s3;
	s0 =	sld [smem:$0x3FAE]  }
0x30: {  	s3 =	sld [smem:$0x3FB1]  }
0x31: {  	[smem:$0x3FBA] =	sst s10  }
0x32: {  	s10 =	sld [smem:$0x3FB8];
	_ =	sdelay $0x3  }
0x33: {  	p0 =	seq.s32 s10, $0x1;
	s10 =	sld [smem:$0x3FBA];
	_ =	sdelay $0x3  }
0x34: {  	[smem:$0x3FBA] =	sst s10  }
0x35: {  	s10 =	sld [smem:$0x3FB9];
	_ =	sdelay $0x3  }
0x36: {  	p1 =	seq.s32 s10, $0x1;
	s10 =	sld [smem:$0x3FBA];
	_ =	sdelay $0x3  }
0x37: {  	[smem:$0x3FBA] =	sst s10  }
0x38: {  	s10 =	sld [smem:$0x3FBB]  }
0x39: {  	_ = 	snop;
	(pc) =	sbr.ind lr, $3  }
0x3a: {  	_ = 	snop  }
0x3b: {  	_ = 	snop  }
0x3c: {  	p2 =	seq.s32 s10, $0x1;
	s10 =	sld [smem:$0x3FBA]  }
0x3d: {  	_ =	shalt  }
0x3e: {  	_ =	shalt  }
0x3f: {  	_ =	shalt  }
0x40: {  	_ =	shalt  }
0x41: {  	_ =	shalt  }
0x42: {  	_ =	shalt  }
0x43: {  	_ =	shalt  }
0x44: {  	_ =	shalt  }
0x45: {  	_ =	shalt  }
0x46: {  	_ =	shalt  }
0x47: {  	_ =	shalt  }
0x48: {  	_ =	shalt  }
0x49: {  	_ =	shalt  }
0x4a: {  	_ =	shalt  }
0x4b: {  	_ =	shalt  }
0x4c: {  	_ =	shalt  }
0x4d: {  	_ =	shalt  }
0x4e: {  	_ =	shalt  }
0x4f: {  	_ =	shalt  }
0x50: {  	_ =	shalt  }
0x51: {  	_ =	shalt  }
0x52: {  	_ =	shalt  }
0x53: {  	_ =	shalt  }
0x54: {  	_ =	shalt  }
0x55: {  	_ =	shalt  }
0x56: {  	_ =	shalt  }
0x57: {  	_ =	shalt  }
0x58: {  	_ =	shalt  }
0x59: {  	_ =	shalt  }
0x5a: {  	_ =	shalt  }
0x5b: {  	_ =	shalt  }
0x5c: {  	_ =	shalt  }
0x5d: {  	_ =	shalt  }
0x5e: {  	_ =	shalt  }
0x5f: {  	_ =	shalt  }
0x60: {  	_ =	shalt  }
0x61: {  	_ =	shalt  }
0x62: {  	_ =	shalt  }
0x63: {  	_ =	shalt  }
0x64: {  	_ =	shalt  }
0x65: {  	_ =	shalt  }
0x66: {  	_ =	shalt  }
0x67: {  	_ =	shalt  }
0x68: {  	_ =	shalt  }
0x69: {  	_ =	shalt  }
0x6a: {  	_ =	shalt  }
0x6b: {  	_ =	shalt  }
0x6c: {  	_ =	shalt  }
0x6d: {  	_ =	shalt  }
0x6e: {  	_ =	shalt  }
0x6f: {  	_ =	shalt  }
0x70: {  	_ =	shalt  }
0x71: {  	_ =	shalt  }
0x72: {  	_ =	shalt  }
0x73: {  	_ =	shalt  }
0x74: {  	_ =	shalt  }
0x75: {  	_ =	shalt  }
0x76: {  	_ =	shalt  }
0x77: {  	_ =	shalt  }
0x78: {  	_ =	shalt  }
0x79: {  	_ =	shalt  }
0x7a: {  	_ =	shalt  }
0x7b: {  	_ =	shalt  }
0x7c: {  	_ =	shalt  }
0x7d: {  	_ =	shalt  }
0x7e: {  	_ =	shalt  }
0x7f: {  	_ =	shalt  }
0x80: {  	_ =	shalt  }
0x81: {  	_ =	shalt  }
0x82: {  	_ =	shalt  }
0x83: {  	_ =	shalt  }
0x84: {  	_ =	shalt  }
0x85: {  	_ =	shalt  }
0x86: {  	_ =	shalt  }
0x87: {  	_ =	shalt  }
.Lfunc_end0:
.L_simem_size_0:
called_computation_lowered:
.L_overlay_start_0:
0x88: {  	s2 =	sld [smem:$0x3FD9]  }
0x89: {  	s3 =	sld [smem:$0x3FFE];
	_ =	sdelay $0x1  }
0x8a: {  	s1 =	srdreg.scid  }
0x8b: {  	s0 =	sand.u32 $0x1, s1  }
0x8c: {  	s17 =	sshll.u32 s0, $0xA;
	s2 =	sadd.s32 s3, s2  }
0x8d: {  	s2 =	sadd.s32 s2, s17  }
0x8e: {  	[smem:$0x3FC6] =	sst s2  }
0x8f: {  	_ = 	snop  }
0x90: {  	s2 =	sld [smem:$0x3FD0];
	(tm) =	ssettm $0x1  }
0x91: {  	s18 =	sld [smem:$0x3FFB];
	_ =	sdelay $0x3  }
0x92: {  	_ =	strace s18  }
0x93: {  	s3 =	sld [smem:$0x3FFC];
	_ =	sdelay $0x3  }
0x94: {  	_ =	strace s3  }
0x95: {  	s3 =	sld [smem:$0x3FFD];
	_ =	sdelay $0x3  }
0x96: {  	_ =	strace s3  }
0x97: {  	_ =	strace $0x8FFFFFFF  }
0x98: {  	s19 =	sld [smem:$0x3FDB];
	_ =	sdelay $0x1  }
0x99: {  	s4 =	simm.s32 $_scs_section_size  }
0x9a: {  	s5 =	simm.s32 $_size__tile_overlayer_lowered;
	s6 =	simm.s32 $_tile_overlayer_lowered  }
0x9b: {  	s22 =	simm.s32 $0x1BFF;
	s21 =	sshll.u32 s6, $0x1;
	s3 =	sadd.s32 s4, s19  }
0x9c: {  	s7 =	simm.s32 $0x0;
	s20 =	sshll.u32 s5, $0x1;
	s5 =	sadd.s32 s21, s3  }
0x9d: {  	[timem:s7], [sflag:s22] =	dma.local [hbm:s5], s20  }
0x9e: {  	_ =	swait.ge [sflag:s22], s20  }
0x9f: {  	s4 =	ssub.s32 $0x0, s20;
	[sflag:s22] =	ssyncset.done $0x0  }
0xa0: {  	[sflag:s22] =	ssyncadd.s32 s4;
	_ =	sdelay $0x1  }
0xa1: {  	s23 =	simm.s32 $0x1B8B  }
0xa2: {  	_ =	swait.ge [sflag:s23], $0x1  }
0xa3: {  	[sflag:s23] =	ssyncset.done $0x0  }
0xa4: {  	s25 =	simm.s32 $0x1B8E;
	s24 =	sld [smem:$0x3FFE];
	[sflag:s23] =	ssyncadd.s32 $0xFFFFFFFF  }
0xa5: {  	s26 =	simm.s32 $execute0_lowered;
	[smem:$0x3FD2] =	sst s25  }
0xa6: {  	s5 =	sshll.u32 s26, $0x1;
	_ =	strace $0x80000046;
	[dreg:$0x1] =	wrdreg $0xFFFFFFFF  }
0xa7: {  	s28 =	simm.s32 $_size_execute0_lowered;
	s3 =	sadd.s32 s3, s5;
	[dreg:$0x0] =	wrdreg $0x0  }
0xa8: {  	s5 =	sshll.u32 s28, $0x1;
	[dreg:$0x2] =	wrdreg s3  }
0xa9: {  	[dreg:$0x3] =	wrdreg s5  }
0xaa: {  	[dreg:$0x4] =	wrdreg $0xC0  }
0xab: {  	_ =	task [dreg:s7], $0x5FFFF  }
0xac: {  	[dreg:$0x1] =	wrdreg $0xFFFFFFFF  }
0xad: {  	[dreg:$0x0] =	wrdreg $0x60  }
0xae: {  	[dreg:$0x2] =	wrdreg s24  }
0xaf: {  	[dreg:$0x3] =	wrdreg s2  }
0xb0: {  	[dreg:$0x4] =	wrdreg $0x0  }
0xb1: {  	[dreg:$0x5] =	wrdreg $0x9  }
0xb2: {  	_ =	task.clear_ibuf [dreg:s7], $0x6FFFF;
	_ =	strace $0x90000046  }
0xb3: {  	s29 =	simm.s32 $0x9;
	_ =	strace $0x80000048  }
0xb4: {  	_ =	swait.ge [sflag:s29], $0x1  }
0xb5: {  	[sflag:s29] =	ssyncadd.s32 $0xFFFFFFFF  }
0xb6: {  	_ =	strace $0x90000048  }
0xb7: {  	_ =	sfence  }
0xb8: {  	s30 =	sld [smem:$0x0];
	_ =	sdelay $0x2  }
0xb9: {  	s31 =	sshll.u32 s1, $0xD;
	s1 =	sshrl.u32 s1, $0x2  }
0xba: {  	s3 =	sand.u32 $0x4000, s31;
	s1 =	sadd.s32 s1, s30  }
0xbb: {  	s0 =	sor.u32 s3, s0;
	s1 =	sshll.u32 s1, $0x11  }
0xbc: {  	s0 =	sor.u32 s1, s0  }
0xbd: {  	s0 =	sadd.s32 $0x8F2B, s0  }
0xbe: {  	[sflag:s0] =	ssyncadd.remote.s32 $0x1  }
0xbf: {  	_ =	sfence.sel $0xFFFF  }
0xc0: {  	[dreg:$0x0] =	wrdreg $0xFFFFFFFF;
	(pc) =	sbr.abs _section_cstart, $3  }
0xc1: {  	[dreg:$0x1] =	wrdreg $0xFFFFFFFF  }
0xc2: {  	_ =	task.clear_ibuf [dreg:s7], $0x2FFFF;
	_ =	strace $0x9FFFFFFF  }
0xc3: {  	(tm) =	ssettm $0x7FFFFFFF  }
tec
execute0_lowered:
.L_overlay_start_1:
0x0: {  	(tag) =	ssettag $0x1  }
0x1: {  	s13 =	rddreg [dreg:$0x0];
	s0 =	srdreg.scid  }
0x2: {  	s1 =	rddreg [dreg:$0x1];
	s2 =	stileid.u32  }
0x3: {  	s28 =	rddreg [dreg:$0x2];
	s0 =	sand.u32 $0x1, s0;
	s5 =	sshll.u32 s2, $0x1  }
0x4: {  	s2 =	smul.u32 $0x186A0, s2;
	s4 =	ssub.s32 $0x2, s0;
	s5 =	sor.u32 s0, s5  }
0x5: {  	s6 =	sadd.s32 $0x64200, s13;
	s7 =	sshrl.u32 s4, $0x1;
	s26 =	smul.u32 $0x19000, s5  }
0x6: {  	s9 =	sshrl.u32 s2, $0x3;
	s5 =	sadd.s32 $0x2710, s2;
	s23 =	sadd.s32 $0xEA60, s2  }
0x7: {  	s31 =	sadd.s32 $0x11170, s2;
	s0 =	sadd.s32 $0x13880, s2;
	s3 =	sadd.s32 $0x15F90, s2  }
0x8: {  	s25 =	ssub.s32 s4, s7;
	s10 =	sadd.s32 s6, s9;
	s7 =	sadd.s32 $0x4E20, s2  }
0x9: {  	s8 =	sshrl.u32 s5, $0x3;
	s18 =	sshrl.u32 s23, $0x3;
	s20 =	sshrl.u32 s31, $0x3  }
0xa: {  	s21 =	sshrl.u32 s0, $0x3;
	s24 =	sshrl.u32 s3, $0x3;
	[dreg:$0x18] =	wrdreg s25  }
0xb: {  	s0 =	sadd.s32 s0, s28;
	[dreg:$0x4] =	wrdreg s10;
	s9 =	sshrl.u32 s7, $0x3  }
0xc: {  	s10 =	sadd.s32 $0x7530, s2;
	s11 =	sadd.s32 s6, s8;
	s8 =	sadd.s32 $0x9C40, s2  }
0xd: {  	s19 =	sadd.s32 s6, s18;
	s22 =	sadd.s32 s6, s21;
	s4 =	sshrl.u32 s26, $0x3  }
0xe: {  	s25 =	sadd.s32 $0x200, s13;
	[dreg:$0x5] =	wrdreg s11;
	s12 =	sadd.s32 s6, s9  }
0xf: {  	s14 =	sshrl.u32 s10, $0x3;
	s9 =	sadd.s32 $0xC350, s2;
	[dreg:$0xa] =	wrdreg s19  }
0x10: {  	s11 =	sshrl.u32 s8, $0x3;
	[dreg:$0xc] =	wrdreg s22;
	s26 =	sadd.s32 $0x640, s4  }
0x11: {  	s19 =	sadd.s32 $0x1900, s4;
	s21 =	sadd.s32 s1, s4;
	s29 =	sadd.s32 $0x2580, s4  }
0x12: {  	[dreg:$0x6] =	wrdreg s12;
	s15 =	sadd.s32 s6, s14;
	s12 =	sshrl.u32 s9, $0x3  }
0x13: {  	s16 =	sadd.s32 s6, s11;
	s11 =	sadd.s32 s6, s20;
	s13 =	sadd.s32 s1, s26  }
0x14: {  	s18 =	sadd.s32 s25, s19;
	s19 =	sadd.s32 s1, s19;
	[dreg:$0x7] =	wrdreg s15  }
0x15: {  	s20 =	sadd.s32 s25, s4;
	[dreg:$0x8] =	wrdreg s16;
	s17 =	sadd.s32 s6, s12  }
0x16: {  	[dreg:$0xb] =	wrdreg s11;
	s6 =	sadd.s32 s6, s24;
	s11 =	simm.s32 $0x0  }
0x17: {  	s12 =	sadd.s32 s25, s26;
	s15 =	sadd.s32 $0xC80, s4;
	[dreg:$0x9] =	wrdreg s17  }
0x18: {  	s26 =	sadd.s32 $0x1F40, s4;
	s24 =	sadd.s32 s25, s29;
	[dreg:$0xd] =	wrdreg s6  }
0x19: {  	s29 =	sadd.s32 s1, s29;
	[smem:$0x7FF] =	sst s11;
	s14 =	sadd.s32 s25, s15  }
0x1a: {  	s15 =	sadd.s32 s1, s15;
	s17 =	sadd.s32 $0x12C0, s4;
	s4 =	sadd.s32 $0x2BC0, s4  }
0x1b: {  	s22 =	sadd.s32 s25, s26;
	s26 =	sadd.s32 s1, s26;
	s6 =	sadd.s32 s5, s28  }
0x1c: {  	s5 =	sadd.s32 s8, s28;
	_ =	strace $0x80000047;
	[dreg:$0xf] =	wrdreg s6  }
0x1d: {  	s8 =	sadd.s32 s31, s28;
	s31 =	simm.s32 $0x15828;
	[dreg:$0x12] =	wrdreg s5  }
0x1e: {  	s16 =	sadd.s32 s25, s17;
	s25 =	sadd.s32 s25, s4;
	[dreg:$0x15] =	wrdreg s8  }
0x1f: {  	s30 =	sadd.s32 s1, s4;
	s4 =	sadd.s32 s2, s28;
	[dreg:$0x16] =	wrdreg s0  }
0x20: {  	s17 =	sadd.s32 s1, s17;
	s2 =	sadd.s32 s7, s28;
	[dreg:$0xe] =	wrdreg s4  }
0x21: {  	s6 =	sadd.s32 s9, s28;
	s7 =	sadd.s32 s23, s28;
	[dreg:$0x10] =	wrdreg s2  }
0x22: {  	s9 =	sadd.s32 s3, s28;
	s23 =	stileid.u32;
	[dreg:$0x13] =	wrdreg s6  }
0x23: {  	s0 =	simm.s32 $0x18A28;
	s1 =	simm.s32 $0x4;
	[dreg:$0x14] =	wrdreg s7  }
.Ltmp0:
0x24: {  	s3 =	simm.s32 $0x6;
	[dreg:$0x17] =	wrdreg s9;
	(pc) =	sbr.rel .LBB2_1-.Ltmp0, $4  }
0x25: {  	s5 =	simm.s32 $0x3200;
	s4 =	sadd.s32 s10, s28;
	s10 =	rddreg [dreg:$0x18]  }
0x26: {  	p0 =	sgt.u32 s23, $0x9;
	s9 =	simm.s32 $0xF428;
	s23 =	simm.s32 $0x3  }
0x27: {  	s2 =	simm.s32 $0x5;
	s6 =	simm.s32 $0x2;
	[dreg:$0x11] =	wrdreg s4  }
0x28: {  	s8 =	smax.u32 s10, $0x1;
	s10 =	simm.s32 $0x12628;
	s4 =	simm.s32 $0x1  }
.LBB2_3:
0x29: {  	[bflag:$0x0] =	sbarrier.arrive $0xFFFF  }
0x2a: {  	_ =	swait.ge [sflag:s4], $0x3200  }
0x2b: {  	[sflag:s4] =	ssyncset.done $0x0  }
0x2c: {  	[sflag:s4] =	ssyncadd.s32 $0xFFFFCE00  }
0x2d: {  	[tilespmem:s31], [sflag:$0x3] =	stream.indirect.gather [spmem:s28], $0x1, s9, s5, $0xb8;
	[tilespmem:$0x1BC28] =	vst v63  }
0x2e: {  	_ =	swait.ge [sflag:s23], $0x3200  }
0x2f: {  	[sflag:s23] =	ssyncset.done $0x0  }
0x30: {  	[sflag:s23] =	ssyncadd.s32 $0xFFFFCE00  }
0x31: {  	[tilespmem:s9], [sflag:$0x1] =	stream.linear.gather [hbm4b:s14+s11], $0x3200, $0x38;
	[tilespmem:$0x1BC28] =	vst v63  }
0x32: {  	_ = 	snop  }
0x33: {  	[hbm4b:s21+s11] =	stream.linear.scatter [tilespmem:s31], [sflag:$0x5], $0x3200, $0x38;
	[tilespmem:$0x1BC28] =	vst v63  }
0x34: {  	_ =	swait.ge [sflag:s6], $0x3200  }
0x35: {  	[sflag:s6] =	ssyncset.done $0x0  }
0x36: {  	[sflag:s6] =	ssyncadd.s32 $0xFFFFCE00  }
0x37: {  	[tilespmem:s0], [sflag:$0x4] =	stream.indirect.gather [spmem:s28], $0x1, s10, s5, $0xb8;
	[tilespmem:$0x1BC28] =	vst v63  }
0x38: {  	_ =	swait.ge [sflag:s1], $0x3200  }
0x39: {  	[sflag:s1] =	ssyncset.done $0x0  }
0x3a: {  	[sflag:s1] =	ssyncadd.s32 $0xFFFFCE00  }
0x3b: {  	[tilespmem:s10], [sflag:$0x2] =	stream.linear.gather [hbm4b:s16+s11], $0x3200, $0x38;
	[tilespmem:$0x1BC28] =	vst v63  }
0x3c: {  	_ = 	snop  }
0x3d: {  	[hbm4b:s13+s11] =	stream.linear.scatter [tilespmem:s0], [sflag:$0x6], $0x3200, $0x38;
	[tilespmem:$0x1BC28] =	vst v63  }
0x3e: {  	_ =	swait.ge [sflag:s4], $0x3200  }
0x3f: {  	[sflag:s4] =	ssyncset.done $0x0  }
0x40: {  	[sflag:s4] =	ssyncadd.s32 $0xFFFFCE00  }
0x41: {  	_ =	swait.ge [sflag:s2], $0x3200  }
0x42: {  	[sflag:s2] =	ssyncset.done $0x0  }
0x43: {  	[sflag:s2] =	ssyncadd.s32 $0xFFFFCE00  }
0x44: {  	[tilespmem:s31], [sflag:$0x3] =	stream.indirect.gather [spmem:s28], $0x1, s9, s5, $0xb8;
	[tilespmem:$0x1BC28] =	vst v63  }
0x45: {  	_ =	swait.ge [sflag:s23], $0x3200  }
0x46: {  	[sflag:s23] =	ssyncset.done $0x0  }
0x47: {  	[sflag:s23] =	ssyncadd.s32 $0xFFFFCE00  }
0x48: {  	[tilespmem:s9], [sflag:$0x1] =	stream.linear.gather [hbm4b:s18+s11], $0x3200, $0x38;
	[tilespmem:$0x1BC28] =	vst v63  }
0x49: {  	_ = 	snop  }
0x4a: {  	[hbm4b:s15+s11] =	stream.linear.scatter [tilespmem:s31], [sflag:$0x5], $0x3200, $0x38;
	[tilespmem:$0x1BC28] =	vst v63  }
0x4b: {  	_ =	swait.ge [sflag:s6], $0x3200  }
0x4c: {  	[sflag:s6] =	ssyncset.done $0x0  }
0x4d: {  	[sflag:s6] =	ssyncadd.s32 $0xFFFFCE00  }
0x4e: {  	_ =	swait.ge [sflag:s3], $0x3200  }
0x4f: {  	[sflag:s3] =	ssyncset.done $0x0  }
0x50: {  	[sflag:s3] =	ssyncadd.s32 $0xFFFFCE00  }
0x51: {  	[tilespmem:s0], [sflag:$0x4] =	stream.indirect.gather [spmem:s28], $0x1, s10, s5, $0xb8;
	[tilespmem:$0x1BC28] =	vst v63  }
0x52: {  	_ =	swait.ge [sflag:s1], $0x3200  }
0x53: {  	[sflag:s1] =	ssyncset.done $0x0  }
0x54: {  	[sflag:s1] =	ssyncadd.s32 $0xFFFFCE00  }
0x55: {  	[tilespmem:s10], [sflag:$0x2] =	stream.linear.gather [hbm4b:s22+s11], $0x3200, $0x38;
	[tilespmem:$0x1BC28] =	vst v63  }
0x56: {  	_ = 	snop  }
0x57: {  	[hbm4b:s17+s11] =	stream.linear.scatter [tilespmem:s0], [sflag:$0x6], $0x3200, $0x38;
	[tilespmem:$0x1BC28] =	vst v63  }
0x58: {  	_ =	swait.ge [sflag:s4], $0x3200  }
0x59: {  	[sflag:s4] =	ssyncset.done $0x0  }
0x5a: {  	[sflag:s4] =	ssyncadd.s32 $0xFFFFCE00  }
0x5b: {  	_ =	swait.ge [sflag:s2], $0x3200  }
0x5c: {  	[sflag:s2] =	ssyncset.done $0x0  }
0x5d: {  	[sflag:s2] =	ssyncadd.s32 $0xFFFFCE00  }
0x5e: {  	[tilespmem:s31], [sflag:$0x3] =	stream.indirect.gather [spmem:s28], $0x1, s9, s5, $0xb8;
	[tilespmem:$0x1BC28] =	vst v63  }
0x5f: {  	_ =	swait.ge [sflag:s23], $0x3200  }
0x60: {  	[sflag:s23] =	ssyncset.done $0x0  }
0x61: {  	[sflag:s23] =	ssyncadd.s32 $0xFFFFCE00  }
0x62: {  	[tilespmem:s9], [sflag:$0x1] =	stream.linear.gather [hbm4b:s24+s11], $0x3200, $0x38;
	[tilespmem:$0x1BC28] =	vst v63  }
0x63: {  	_ = 	snop  }
0x64: {  	[hbm4b:s19+s11] =	stream.linear.scatter [tilespmem:s31], [sflag:$0x5], $0x3200, $0x38;
	[tilespmem:$0x1BC28] =	vst v63  }
0x65: {  	_ =	swait.ge [sflag:s6], $0x3200  }
0x66: {  	[sflag:s6] =	ssyncset.done $0x0  }
0x67: {  	[sflag:s6] =	ssyncadd.s32 $0xFFFFCE00  }
0x68: {  	_ =	swait.ge [sflag:s3], $0x3200  }
0x69: {  	[sflag:s3] =	ssyncset.done $0x0  }
0x6a: {  	[sflag:s3] =	ssyncadd.s32 $0xFFFFCE00  }
0x6b: {  	[tilespmem:s0], [sflag:$0x4] =	stream.indirect.gather [spmem:s28], $0x1, s10, s5, $0xb8;
	[tilespmem:$0x1BC28] =	vst v63  }
0x6c: {  	_ =	swait.ge [sflag:s1], $0x3200  }
0x6d: {  	[sflag:s1] =	ssyncset.done $0x0  }
0x6e: {  	[sflag:s1] =	ssyncadd.s32 $0xFFFFCE00  }
0x6f: {  	[tilespmem:s10], [sflag:$0x2] =	stream.linear.gather [hbm4b:s25+s11], $0x3200, $0x38;
	[tilespmem:$0x1BC28] =	vst v63  }
0x70: {  	_ = 	snop  }
0x71: {  	[hbm4b:s26+s11] =	stream.linear.scatter [tilespmem:s0], [sflag:$0x6], $0x3200, $0x38;
	[tilespmem:$0x1BC28] =	vst v63  }
0x72: {  	_ =	swait.ge [sflag:s4], $0x3200  }
0x73: {  	[sflag:s4] =	ssyncset.done $0x0  }
0x74: {  	[sflag:s4] =	ssyncadd.s32 $0xFFFFCE00  }
0x75: {  	_ =	swait.ge [sflag:s2], $0x3200  }
0x76: {  	[sflag:s2] =	ssyncset.done $0x0  }
0x77: {  	[sflag:s2] =	ssyncadd.s32 $0xFFFFCE00  }
0x78: {  	[tilespmem:s31], [sflag:$0x3] =	stream.indirect.gather [spmem:s28], $0x1, s9, s5, $0xb8;
	[tilespmem:$0x1BC28] =	vst v63  }
0x79: {  	_ =	swait.ge [sflag:s23], $0x3200  }
0x7a: {  	[sflag:s23] =	ssyncset.done $0x0  }
0x7b: {  	[sflag:s23] =	ssyncadd.s32 $0xFFFFCE00  }
0x7c: {  	[hbm4b:s29+s11] =	stream.linear.scatter [tilespmem:s31], [sflag:$0x5], $0x3200, $0x38;
	[tilespmem:$0x1BC28] =	vst v63  }
0x7d: {  	_ =	swait.ge [sflag:s6], $0x3200  }
0x7e: {  	[sflag:s6] =	ssyncset.done $0x0  }
0x7f: {  	[sflag:s6] =	ssyncadd.s32 $0xFFFFCE00  }
0x80: {  	_ =	swait.ge [sflag:s3], $0x3200  }
0x81: {  	[sflag:s3] =	ssyncset.done $0x0  }
0x82: {  	[sflag:s3] =	ssyncadd.s32 $0xFFFFCE00  }
0x83: {  	[tilespmem:s0], [sflag:$0x4] =	stream.indirect.gather [spmem:s28], $0x1, s10, s5, $0xb8;
	[tilespmem:$0x1BC28] =	vst v63  }
0x84: {  	_ =	swait.ge [sflag:s1], $0x3200  }
0x85: {  	[sflag:s1] =	ssyncset.done $0x0  }
0x86: {  	s8 =	sadd.s32 $0xFFFFFFFF, s8;
	[sflag:s1] =	ssyncadd.s32 $0xFFFFCE00  }
0x87: {  	[hbm4b:s30+s11] =	stream.linear.scatter [tilespmem:s0], [sflag:$0x6], $0x3200, $0x38;
	[tilespmem:$0x1BC28] =	vst v63  }
0x88: {  	p1 =	sne.s32 s8, $0x0;
	_ =	swait.ge [sflag:s2], $0x3200  }
.Ltmp1:
0x89: {  	[sflag:s2] =	ssyncset.done $0x0;
	(pc) =	sbr.rel @!p1 .LBB2_4-.Ltmp1, $4  }
0x8a: {  	[sflag:s2] =	ssyncadd.s32 $0xFFFFCE00  }
0x8b: {  	_ =	swait.ge [sflag:s3], $0x3200  }
0x8c: {  	[sflag:s3] =	ssyncset.done $0x0  }
0x8d: {  	[sflag:s3] =	ssyncadd.s32 $0xFFFFCE00  }
.LBB2_1:
.Ltmp2:
0x8e: {  	(pc) =	sbr.rel @p0 .LBB2_3-.Ltmp2, $4  }
0x8f: {  	_ = 	snop  }
0x90: {  	[tilespmem:s9], [sflag:$0x1] =	stream.linear.gather [hbm4b:s20+s11], $0x3200, $0x38;
	[tilespmem:$0x1BC28] =	vst v63  }
0x91: {  	_ = 	snop  }
0x92: {  	[tilespmem:s10], [sflag:$0x2] =	stream.linear.gather [hbm4b:s12+s11], $0x3200, $0x38;
	[tilespmem:$0x1BC28] =	vst v63  }
0x93: {  	s7 =	rddreg [dreg:$0x4]  }
0x94: {  	[tilespmem:s31], [sflag:$0x3] =	stream.linear.gather [hbm4b:s7+s11], $0x2710, $0x38;
	[tilespmem:$0x1BC28] =	vst v63  }
0x95: {  	_ =	swait.ge [sflag:s23], $0x2710  }
0x96: {  	[sflag:s23] =	ssyncset.done $0x0  }
0x97: {  	s7 =	rddreg [dreg:$0x5];
	[sflag:s23] =	ssyncadd.s32 $0xFFFFD8F0  }
0x98: {  	[tilespmem:s0], [sflag:$0x4] =	stream.linear.gather [hbm4b:s7+s11], $0x2710, $0x38;
	[tilespmem:$0x1BC28] =	vst v63  }
0x99: {  	s7 =	rddreg [dreg:$0xe]  }
0x9a: {  	[spmem:s7] =	stream.linear.scatter [tilespmem:s31], [sflag:$0x5], $0x2710, $0x38;
	[tilespmem:$0x1BC28] =	vst v63  }
0x9b: {  	_ =	swait.ge [sflag:s1], $0x2710  }
0x9c: {  	[sflag:s1] =	ssyncset.done $0x0  }
0x9d: {  	[sflag:s1] =	ssyncadd.s32 $0xFFFFD8F0  }
0x9e: {  	_ =	swait.ge [sflag:s2], $0x2710  }
0x9f: {  	[sflag:s2] =	ssyncset.done $0x0  }
0xa0: {  	s7 =	rddreg [dreg:$0x6];
	[sflag:s2] =	ssyncadd.s32 $0xFFFFD8F0  }
0xa1: {  	[tilespmem:s31], [sflag:$0x3] =	stream.linear.gather [hbm4b:s7+s11], $0x2710, $0x38;
	[tilespmem:$0x1BC28] =	vst v63  }
0xa2: {  	s7 =	rddreg [dreg:$0xf]  }
0xa3: {  	[spmem:s7] =	stream.linear.scatter [tilespmem:s0], [sflag:$0x6], $0x2710, $0x38;
	[tilespmem:$0x1BC28] =	vst v63  }
0xa4: {  	_ =	swait.ge [sflag:s23], $0x2710  }
0xa5: {  	[sflag:s23] =	ssyncset.done $0x0  }
0xa6: {  	[sflag:s23] =	ssyncadd.s32 $0xFFFFD8F0  }
0xa7: {  	_ =	swait.ge [sflag:s3], $0x2710  }
0xa8: {  	[sflag:s3] =	ssyncset.done $0x0  }
0xa9: {  	s7 =	rddreg [dreg:$0x7];
	[sflag:s3] =	ssyncadd.s32 $0xFFFFD8F0  }
0xaa: {  	[tilespmem:s0], [sflag:$0x4] =	stream.linear.gather [hbm4b:s7+s11], $0x2710, $0x38;
	[tilespmem:$0x1BC28] =	vst v63  }
0xab: {  	s7 =	rddreg [dreg:$0x10]  }
0xac: {  	[spmem:s7] =	stream.linear.scatter [tilespmem:s31], [sflag:$0x5], $0x2710, $0x38;
	[tilespmem:$0x1BC28] =	vst v63  }
0xad: {  	_ =	swait.ge [sflag:s1], $0x2710  }
0xae: {  	[sflag:s1] =	ssyncset.done $0x0  }
0xaf: {  	[sflag:s1] =	ssyncadd.s32 $0xFFFFD8F0  }
0xb0: {  	_ =	swait.ge [sflag:s2], $0x2710  }
0xb1: {  	[sflag:s2] =	ssyncset.done $0x0  }
0xb2: {  	s7 =	rddreg [dreg:$0x8];
	[sflag:s2] =	ssyncadd.s32 $0xFFFFD8F0  }
0xb3: {  	[tilespmem:s31], [sflag:$0x3] =	stream.linear.gather [hbm4b:s7+s11], $0x2710, $0x38;
	[tilespmem:$0x1BC28] =	vst v63  }
0xb4: {  	s7 =	rddreg [dreg:$0x11]  }
0xb5: {  	[spmem:s7] =	stream.linear.scatter [tilespmem:s0], [sflag:$0x6], $0x2710, $0x38;
	[tilespmem:$0x1BC28] =	vst v63  }
0xb6: {  	_ =	swait.ge [sflag:s23], $0x2710  }
0xb7: {  	[sflag:s23] =	ssyncset.done $0x0  }
0xb8: {  	[sflag:s23] =	ssyncadd.s32 $0xFFFFD8F0  }
0xb9: {  	_ =	swait.ge [sflag:s3], $0x2710  }
0xba: {  	[sflag:s3] =	ssyncset.done $0x0  }
0xbb: {  	s7 =	rddreg [dreg:$0x9];
	[sflag:s3] =	ssyncadd.s32 $0xFFFFD8F0  }
0xbc: {  	[tilespmem:s0], [sflag:$0x4] =	stream.linear.gather [hbm4b:s7+s11], $0x2710, $0x38;
	[tilespmem:$0x1BC28] =	vst v63  }
0xbd: {  	s7 =	rddreg [dreg:$0x12]  }
0xbe: {  	[spmem:s7] =	stream.linear.scatter [tilespmem:s31], [sflag:$0x5], $0x2710, $0x38;
	[tilespmem:$0x1BC28] =	vst v63  }
0xbf: {  	_ =	swait.ge [sflag:s1], $0x2710  }
0xc0: {  	[sflag:s1] =	ssyncset.done $0x0  }
0xc1: {  	[sflag:s1] =	ssyncadd.s32 $0xFFFFD8F0  }
0xc2: {  	_ =	swait.ge [sflag:s2], $0x2710  }
0xc3: {  	[sflag:s2] =	ssyncset.done $0x0  }
0xc4: {  	s7 =	rddreg [dreg:$0xa];
	[sflag:s2] =	ssyncadd.s32 $0xFFFFD8F0  }
0xc5: {  	[tilespmem:s31], [sflag:$0x3] =	stream.linear.gather [hbm4b:s7+s11], $0x2710, $0x38;
	[tilespmem:$0x1BC28] =	vst v63  }
0xc6: {  	s7 =	rddreg [dreg:$0x13]  }
0xc7: {  	[spmem:s7] =	stream.linear.scatter [tilespmem:s0], [sflag:$0x6], $0x2710, $0x38;
	[tilespmem:$0x1BC28] =	vst v63  }
0xc8: {  	_ =	swait.ge [sflag:s23], $0x2710  }
0xc9: {  	[sflag:s23] =	ssyncset.done $0x0  }
0xca: {  	[sflag:s23] =	ssyncadd.s32 $0xFFFFD8F0  }
0xcb: {  	_ =	swait.ge [sflag:s3], $0x2710  }
0xcc: {  	[sflag:s3] =	ssyncset.done $0x0  }
0xcd: {  	s7 =	rddreg [dreg:$0xb];
	[sflag:s3] =	ssyncadd.s32 $0xFFFFD8F0  }
0xce: {  	[tilespmem:s0], [sflag:$0x4] =	stream.linear.gather [hbm4b:s7+s11], $0x2710, $0x38;
	[tilespmem:$0x1BC28] =	vst v63  }
0xcf: {  	s7 =	rddreg [dreg:$0x14]  }
0xd0: {  	[spmem:s7] =	stream.linear.scatter [tilespmem:s31], [sflag:$0x5], $0x2710, $0x38;
	[tilespmem:$0x1BC28] =	vst v63  }
0xd1: {  	_ =	swait.ge [sflag:s1], $0x2710  }
0xd2: {  	[sflag:s1] =	ssyncset.done $0x0  }
0xd3: {  	[sflag:s1] =	ssyncadd.s32 $0xFFFFD8F0  }
0xd4: {  	_ =	swait.ge [sflag:s2], $0x2710  }
0xd5: {  	[sflag:s2] =	ssyncset.done $0x0  }
0xd6: {  	s7 =	rddreg [dreg:$0xc];
	[sflag:s2] =	ssyncadd.s32 $0xFFFFD8F0  }
0xd7: {  	[tilespmem:s31], [sflag:$0x3] =	stream.linear.gather [hbm4b:s7+s11], $0x2710, $0x38;
	[tilespmem:$0x1BC28] =	vst v63  }
0xd8: {  	s7 =	rddreg [dreg:$0x15]  }
0xd9: {  	[spmem:s7] =	stream.linear.scatter [tilespmem:s0], [sflag:$0x6], $0x2710, $0x38;
	[tilespmem:$0x1BC28] =	vst v63  }
0xda: {  	_ =	swait.ge [sflag:s23], $0x2710  }
0xdb: {  	[sflag:s23] =	ssyncset.done $0x0  }
0xdc: {  	[sflag:s23] =	ssyncadd.s32 $0xFFFFD8F0  }
0xdd: {  	_ =	swait.ge [sflag:s3], $0x2710  }
0xde: {  	[sflag:s3] =	ssyncset.done $0x0  }
0xdf: {  	s7 =	rddreg [dreg:$0xd];
	[sflag:s3] =	ssyncadd.s32 $0xFFFFD8F0  }
0xe0: {  	[tilespmem:s0], [sflag:$0x4] =	stream.linear.gather [hbm4b:s7+s11], $0x2710, $0x38;
	[tilespmem:$0x1BC28] =	vst v63  }
0xe1: {  	s7 =	rddreg [dreg:$0x16]  }
0xe2: {  	[spmem:s7] =	stream.linear.scatter [tilespmem:s31], [sflag:$0x5], $0x2710, $0x38;
	[tilespmem:$0x1BC28] =	vst v63  }
0xe3: {  	_ =	swait.ge [sflag:s1], $0x2710  }
0xe4: {  	[sflag:s1] =	ssyncset.done $0x0  }
0xe5: {  	[sflag:s1] =	ssyncadd.s32 $0xFFFFD8F0  }
0xe6: {  	_ =	swait.ge [sflag:s2], $0x2710  }
0xe7: {  	[sflag:s2] =	ssyncset.done $0x0  }
.Ltmp3:
0xe8: {  	s7 =	rddreg [dreg:$0x17];
	[sflag:s2] =	ssyncadd.s32 $0xFFFFD8F0;
	(pc) =	sbr.rel .LBB2_3-.Ltmp3, $4  }
0xe9: {  	[spmem:s7] =	stream.linear.scatter [tilespmem:s0], [sflag:$0x6], $0x2710, $0x38;
	[tilespmem:$0x1BC28] =	vst v63  }
0xea: {  	_ =	swait.ge [sflag:s3], $0x2710  }
0xeb: {  	[sflag:s3] =	ssyncset.done $0x0  }
0xec: {  	[sflag:s3] =	ssyncadd.s32 $0xFFFFD8F0  }
.LBB2_4:
0xed: {  	_ =	sfence.sel $0x180000  }
0xee: {  	[bflag:$0x0] =	sbarrier.arrive $0xFFFF  }
0xef: {  	_ =	strace $0x90000047  }
0xf0: {  	s0 =	stileid.u32;
	[bflag:$0x2] =	sbarrier.arrive $0xFFFF  }
0xf1: {  	p0 =	sne.s32 s0, $0x0;
	s0 =	rddreg [dreg:$0x3]  }
0xf2: {  	s0 =	sadd.s32 @!p0 $0x100000, s0  }
0xf3: {  	[sflag:s0] =	ssyncadd.tile.s32 @!p0 $0x1;
	_ =	shalt  }
.Lfunc_end2:
_tile_overlayer_lowered:
.L_overlay_start_2:
0xf4: {  	(tag) =	ssettag $0x2  }
0xf5: {  	s0 =	rddreg [dreg:$0x0];
	s2 =	stileid.u32  }
0xf6: {  	s1 =	rddreg [dreg:$0x1];
	p0 =	sne.s32 s2, $0x0  }
0xf7: {  	s3 =	rddreg [dreg:$0x2];
	[bflag:$0x3] =	sbarrier.arrive $0xFFFF;
	s2 =	simm.s32 @!p0 $0x1C07  }
0xf8: {  	[timem:s3], [sflag:s2] =	dma.local @!p0 [hbm:s0], s1  }
0xf9: {  	s0 =	simm.s32 @!p0 $0x7  }
0xfa: {  	_ =	swait.ge @!p0 [sflag:s0], s1  }
0xfb: {  	s1 =	ssub.s32 @!p0 $0x0, s1;
	[sflag:s0] =	ssyncset.done @!p0 $0x0  }
0xfc: {  	[sflag:s0] =	ssyncadd.s32 @!p0 s1  }
0xfd: {  	[bflag:$0x3] =	sbarrier.arrive $0xFFFF  }
0xfe: {  	_ =	shalt  }

</sc_bundles>
